<compile_context>
chip_gen: v7x
topology: tpu7x:2x2x1
jax: 0.10.2.dev20260603
libtpu: 0.0.44.dev20260713+nightly
codegen_flags: <defaults>
</compile_context>

<pallas_src>
import functools

import jax
import jax.numpy as jnp
from jax import lax
from jax.experimental import pallas as pl
from jax.experimental.pallas import tpu as pltpu
from jax.experimental.pallas import tpu_sc as plsc

N, D, K = 16384, 256, 8192
BN = 256


def _y2_body(cbn_ref, o_ref):
    cbn = cbn_ref[...]
    o_ref[...] = 0.25 * jnp.sum(cbn * cbn, axis=0, keepdims=True)


def _y2_tc(cbn):
    return pl.pallas_call(
        _y2_body,
        out_shape=jax.ShapeDtypeStruct((1, K), jnp.float32),
    )(cbn)


def _argmin_body(x_ref, cbn_ref, y2_ref, o_ref):
    x_blk = x_ref[...]
    cbn = cbn_ref[...]
    xyn = jax.lax.dot_general(
        x_blk, cbn, (((1,), (0,)), ((), ())),
        precision=jax.lax.Precision.DEFAULT,
        preferred_element_type=jnp.float32,
    )
    x2 = jnp.sum(x_blk * x_blk, axis=1, keepdims=True)
    y2 = y2_ref[...]
    m2 = jnp.maximum(jnp.min((x2 + y2) + xyn, axis=1), 0.0)
    s = jnp.sqrt(m2)
    v = m2
    for _ in range(5):
        cand = jax.lax.bitcast_convert_type(
            jax.lax.bitcast_convert_type(v, jnp.int32) + 1, jnp.float32)
        v = jnp.where(jnp.sqrt(cand) == s, cand, v)
    colf = jax.lax.broadcasted_iota(jnp.int32, (1, K), 1).astype(jnp.float32)
    d2b = xyn + (y2 + x2)
    idxf = jnp.min(jnp.where(d2b <= v[:, None], colf, float(K)), axis=1)
    o_ref[...] = idxf.astype(jnp.int32)


def _argmin_tc(x, cbn, y2):
    n_rows = x.shape[0]
    return pl.pallas_call(
        _argmin_body,
        grid=(n_rows // BN,),
        in_specs=[
            pl.BlockSpec((BN, D), lambda i: (i, 0)),
            pl.BlockSpec((D, K), lambda i: (0, 0)),
            pl.BlockSpec((1, K), lambda i: (0, 0)),
        ],
        out_specs=pl.BlockSpec((BN,), lambda i: (i,)),
        out_shape=jax.ShapeDtypeStruct((n_rows,), jnp.int32),
        compiler_params=pltpu.CompilerParams(
            dimension_semantics=("arbitrary",),
        ),
    )(x, cbn, y2)


_NC, _NS = 2, 16
_NW = _NC * _NS
_CH = 128


@functools.cache
def _make_gather_sc(n_rows):
    b_per_w = n_rows // _NW
    n_chunks = b_per_w // _CH

    @functools.partial(
        pl.kernel,
        out_type=jax.ShapeDtypeStruct((n_rows, D), jnp.float32),
        mesh=plsc.VectorSubcoreMesh(core_axis_name="c", subcore_axis_name="s"),
        scratch_types=[
            pltpu.VMEM((2, _CH), jnp.int32),
            pltpu.VMEM((2, _CH, D), jnp.float32),
            pltpu.SemaphoreType.DMA((2,)),
        ],
    )
    def _gather_sc(table_hbm, idx_hbm, out_hbm, idx_v, rows_v, sem):
        wid = lax.axis_index("s") * _NC + lax.axis_index("c")
        base = wid * b_per_w
        handles = [None, None]
        for c in range(n_chunks):
            buf = c % 2
            off = base + c * _CH
            pltpu.sync_copy(idx_hbm.at[pl.ds(off, _CH)], idx_v.at[buf])
            handles[buf] = pltpu.async_copy(
                table_hbm.at[idx_v.at[buf]], rows_v.at[buf], sem.at[buf])
            if c > 0:
                handles[1 - buf].wait()
                pltpu.sync_copy(rows_v.at[1 - buf],
                                out_hbm.at[pl.ds(base + (c - 1) * _CH, _CH)])
        last = (n_chunks - 1) % 2
        handles[last].wait()
        pltpu.sync_copy(rows_v.at[last],
                        out_hbm.at[pl.ds(base + (n_chunks - 1) * _CH, _CH)])

    return _gather_sc


def kernel(x, codebook):
    cbn = codebook.T * jnp.float32(-2.0)
    y2 = _y2_tc(cbn)
    indices = _argmin_tc(x, cbn, y2)
    quantized = _make_gather_sc(N)(codebook, indices)
    return (indices, quantized)

# --- scband reference (transcript-rebuilt; emitter-appended) ---
"""Pipeline reference for scband-vector-quantizer-23167053595188 (READ-ONLY COPY).

The authoritative reference and input builder live on the scoring server;
editing this copy changes nothing except your own understanding.
"""

import jax, jax.numpy as jnp
import numpy as np


def setup_inputs(seed: int = 0) -> dict:
    key = jax.random.key(seed)
    k1, k2 = jax.random.split(key)
    x = jax.random.normal(k1, (16384, 256), dtype=jnp.float32)
    codebook = jax.random.normal(k2, (8192, 256), dtype=jnp.float32)
    return {"x": x, "codebook": codebook}


def _cdist(x, y):
    # Euclidean distance matrix, numerically matching torch.cdist(p=2)
    x2 = jnp.sum(x * x, axis=-1, keepdims=True)            # [N, 1]
    y2 = jnp.sum(y * y, axis=-1)[None, :]                   # [1, K]
    xy = x @ y.T                                            # [N, K]
    d2 = jnp.maximum(x2 + y2 - 2.0 * xy, 0.0)
    return jnp.sqrt(d2)


def reference(x, codebook):
    distances = _cdist(x, codebook)                         # [N, K]
    indices = jnp.argmin(distances, axis=-1)                # [N]
    quantized = jnp.take(codebook, indices, axis=0)         # [N, D] embedding lookup
    return (indices, quantized)

if __name__ == "__main__":
    import jax
    _d = setup_inputs()
    print(jax.jit(kernel)(*tuple(_d.values())))

</pallas_src>

<mosaic_0001>
#map = affine_map<(d0, d1) -> (0, 0)>
#map1 = affine_map<(d0, d1) -> (0)>
module attributes {stable_mosaic.version = 14 : i64} {
  func.func @_gather_sc(%arg0: i32, %arg1: i32, %arg2: memref<8192x256xf32, #tpu.memory_space<hbm>>, %arg3: memref<16384xi32, #tpu.memory_space<hbm>>, %arg4: memref<16384x256xf32, #tpu.memory_space<hbm>>, %arg5: memref<2x128xi32, #tpu.memory_space<vmem>>, %arg6: memref<2x128x256xf32, #tpu.memory_space<vmem>>, %arg7: memref<2x!tpu.dma_semaphore, #tpu.memory_space<semaphore_mem>>) attributes {dimension_semantics = [#tpu.dimension_semantics<core_parallel>, #tpu.dimension_semantics<subcore_parallel>], iteration_bounds = array<i64: 2, 16>, scalar_prefetch = 0 : i64, scratch_operands = 3 : i64, tpu.core_type = #tpu.core_type<sc_vector_subcore>, window_params = [{transform_indices = #map}, {transform_indices = #map1}, {transform_indices = #map}]} {
    %mul3A = arith.constant 2 : i32
    %mul3A_0 = arith.muli %arg1, %mul3A : i32
    %add3A = arith.addi %mul3A_0, %arg0 : i32
    %mul3A_1 = arith.constant 512 : i32
    %mul3A_2 = arith.muli %add3A, %mul3A_1 : i32
    %add3A_3 = arith.constant 0 : i32
    %add3A_4 = arith.addi %mul3A_2, %add3A_3 : i32
    %run_scoped3A = arith.constant 0 : i32
    "tpu.region"() ({
      %run_scoped3A_144 = tpu.sem_alloc : memref<!tpu.dma_semaphore, #tpu.memory_space<semaphore_mem>>
      %dma_start3A_145 = arith.constant 0 : i32
      %dma_start3A_146 = tpu.memref_slice %arg5[%run_scoped3A, %dma_start3A_145] : memref<2x128xi32, #tpu.memory_space<vmem>> -> memref<1x128xi32, #tpu.memory_space<vmem>>
      %dma_start3A_147 = tpu.memref_squeeze %dma_start3A_146 : memref<1x128xi32, #tpu.memory_space<vmem>> -> memref<128xi32, #tpu.memory_space<vmem>>
      %dma_start3A_148 = tpu.memref_slice %arg3[%add3A_4] : memref<16384xi32, #tpu.memory_space<hbm>> -> memref<128xi32, #tpu.memory_space<hbm>>
      %dma_start3A_149 = arith.constant 0 : i32
      %dma_start3A_150 = tpu.memref_slice %arg5[%run_scoped3A, %dma_start3A_149] : memref<2x128xi32, #tpu.memory_space<vmem>> -> memref<1x128xi32, #tpu.memory_space<vmem>>
      %dma_start3A_151 = tpu.memref_squeeze %dma_start3A_150 : memref<1x128xi32, #tpu.memory_space<vmem>> -> memref<128xi32, #tpu.memory_space<vmem>>
      %dma_start3A_152 = tpu.memref_slice %arg3[%add3A_4] : memref<16384xi32, #tpu.memory_space<hbm>> -> memref<128xi32, #tpu.memory_space<hbm>>
      tpu.enqueue_dma source(%dma_start3A_152 : memref<128xi32, #tpu.memory_space<hbm>>) target(%dma_start3A_151 : memref<128xi32, #tpu.memory_space<vmem>>) target_semaphore(%run_scoped3A_144 : memref<!tpu.dma_semaphore, #tpu.memory_space<semaphore_mem>>)
      %dma_wait3A_153 = arith.constant 0 : i32
      %dma_wait3A_154 = tpu.memref_slice %arg5[%run_scoped3A, %dma_wait3A_153] : memref<2x128xi32, #tpu.memory_space<vmem>> -> memref<1x128xi32, #tpu.memory_space<vmem>>
      %dma_wait3A_155 = tpu.memref_squeeze %dma_wait3A_154 : memref<1x128xi32, #tpu.memory_space<vmem>> -> memref<128xi32, #tpu.memory_space<vmem>>
      %dma_wait3A_156 = tpu.memref_slice %arg3[%add3A_4] : memref<16384xi32, #tpu.memory_space<hbm>> -> memref<128xi32, #tpu.memory_space<hbm>>
      %dma_wait3A_157 = arith.constant 0 : i32
      %dma_wait3A_158 = tpu.memref_slice %arg5[%run_scoped3A, %dma_wait3A_157] : memref<2x128xi32, #tpu.memory_space<vmem>> -> memref<1x128xi32, #tpu.memory_space<vmem>>
      %dma_wait3A_159 = tpu.memref_squeeze %dma_wait3A_158 : memref<1x128xi32, #tpu.memory_space<vmem>> -> memref<128xi32, #tpu.memory_space<vmem>>
      %dma_wait3A_160 = tpu.memref_slice %arg3[%add3A_4] : memref<16384xi32, #tpu.memory_space<hbm>> -> memref<128xi32, #tpu.memory_space<hbm>>
      tpu.wait_dma2 semaphore(%run_scoped3A_144 : memref<!tpu.dma_semaphore, #tpu.memory_space<semaphore_mem>>) src(%dma_wait3A_160 : memref<128xi32, #tpu.memory_space<hbm>>) dst(%dma_wait3A_159 : memref<128xi32, #tpu.memory_space<vmem>>)
      tpu.yield
    }) : () -> ()
    %dma_start3A = arith.constant 0 : i32
    %dma_start3A_5 = arith.constant 0 : i32
    %dma_start3A_6 = arith.constant 0 : i32
    %dma_start3A_7 = arith.constant 0 : i32
    %dma_start3A_8 = arith.constant 0 : i32
    %dma_start3A_9 = tpu.memref_slice %arg6[%dma_start3A_5, %dma_start3A_7, %dma_start3A_8] : memref<2x128x256xf32, #tpu.memory_space<vmem>> -> memref<1x128x256xf32, #tpu.memory_space<vmem>>
    %dma_start3A_10 = tpu.memref_squeeze %dma_start3A_9 : memref<1x128x256xf32, #tpu.memory_space<vmem>> -> memref<128x256xf32, #tpu.memory_space<vmem>>
    %dma_start3A_11 = arith.constant 0 : i32
    %dma_start3A_12 = tpu.memref_slice %arg5[%dma_start3A, %dma_start3A_11] : memref<2x128xi32, #tpu.memory_space<vmem>> -> memref<1x128xi32, #tpu.memory_space<vmem>>
    %dma_start3A_13 = tpu.memref_squeeze %dma_start3A_12 : memref<1x128xi32, #tpu.memory_space<vmem>> -> memref<128xi32, #tpu.memory_space<vmem>>
    %dma_start3A_14 = arith.constant 0 : i32
    %dma_start3A_15 = arith.constant 0 : i32
    %dma_start3A_16 = tpu.memref_slice %arg2[%dma_start3A_14, %dma_start3A_15] : memref<8192x256xf32, #tpu.memory_space<hbm>> -> memref<8192x256xf32, #tpu.memory_space<hbm>>
    %dma_start3A_17 = tpu.memref_slice %arg7[%dma_start3A_6] : memref<2x!tpu.dma_semaphore, #tpu.memory_space<semaphore_mem>> -> memref<1x!tpu.dma_semaphore, #tpu.memory_space<semaphore_mem>>
    %dma_start3A_18 = tpu.memref_squeeze %dma_start3A_17 : memref<1x!tpu.dma_semaphore, #tpu.memory_space<semaphore_mem>> -> memref<!tpu.dma_semaphore, #tpu.memory_space<semaphore_mem>>
    tpu.enqueue_indirect_dma source(%dma_start3A_16 : memref<8192x256xf32, #tpu.memory_space<hbm>>) target(%dma_start3A_10 : memref<128x256xf32, #tpu.memory_space<vmem>>) offsets(%dma_start3A_13 : memref<128xi32, #tpu.memory_space<vmem>>) semaphore(%dma_start3A_18 : memref<!tpu.dma_semaphore, #tpu.memory_space<semaphore_mem>>)
    %add3A_19 = arith.constant 128 : i32
    %add3A_20 = arith.addi %mul3A_2, %add3A_19 : i32
    %run_scoped3A_21 = arith.constant 1 : i32
    "tpu.region"() ({
      %run_scoped3A_144 = tpu.sem_alloc : memref<!tpu.dma_semaphore, #tpu.memory_space<semaphore_mem>>
      %dma_start3A_145 = arith.constant 0 : i32
      %dma_start3A_146 = tpu.memref_slice %arg5[%run_scoped3A_21, %dma_start3A_145] : memref<2x128xi32, #tpu.memory_space<vmem>> -> memref<1x128xi32, #tpu.memory_space<vmem>>
      %dma_start3A_147 = tpu.memref_squeeze %dma_start3A_146 : memref<1x128xi32, #tpu.memory_space<vmem>> -> memref<128xi32, #tpu.memory_space<vmem>>
      %dma_start3A_148 = tpu.memref_slice %arg3[%add3A_20] : memref<16384xi32, #tpu.memory_space<hbm>> -> memref<128xi32, #tpu.memory_space<hbm>>
      %dma_start3A_149 = arith.constant 0 : i32
      %dma_start3A_150 = tpu.memref_slice %arg5[%run_scoped3A_21, %dma_start3A_149] : memref<2x128xi32, #tpu.memory_space<vmem>> -> memref<1x128xi32, #tpu.memory_space<vmem>>
      %dma_start3A_151 = tpu.memref_squeeze %dma_start3A_150 : memref<1x128xi32, #tpu.memory_space<vmem>> -> memref<128xi32, #tpu.memory_space<vmem>>
      %dma_start3A_152 = tpu.memref_slice %arg3[%add3A_20] : memref<16384xi32, #tpu.memory_space<hbm>> -> memref<128xi32, #tpu.memory_space<hbm>>
      tpu.enqueue_dma source(%dma_start3A_152 : memref<128xi32, #tpu.memory_space<hbm>>) target(%dma_start3A_151 : memref<128xi32, #tpu.memory_space<vmem>>) target_semaphore(%run_scoped3A_144 : memref<!tpu.dma_semaphore, #tpu.memory_space<semaphore_mem>>)
      %dma_wait3A_153 = arith.constant 0 : i32
      %dma_wait3A_154 = tpu.memref_slice %arg5[%run_scoped3A_21, %dma_wait3A_153] : memref<2x128xi32, #tpu.memory_space<vmem>> -> memref<1x128xi32, #tpu.memory_space<vmem>>
      %dma_wait3A_155 = tpu.memref_squeeze %dma_wait3A_154 : memref<1x128xi32, #tpu.memory_space<vmem>> -> memref<128xi32, #tpu.memory_space<vmem>>
      %dma_wait3A_156 = tpu.memref_slice %arg3[%add3A_20] : memref<16384xi32, #tpu.memory_space<hbm>> -> memref<128xi32, #tpu.memory_space<hbm>>
      %dma_wait3A_157 = arith.constant 0 : i32
      %dma_wait3A_158 = tpu.memref_slice %arg5[%run_scoped3A_21, %dma_wait3A_157] : memref<2x128xi32, #tpu.memory_space<vmem>> -> memref<1x128xi32, #tpu.memory_space<vmem>>
      %dma_wait3A_159 = tpu.memref_squeeze %dma_wait3A_158 : memref<1x128xi32, #tpu.memory_space<vmem>> -> memref<128xi32, #tpu.memory_space<vmem>>
      %dma_wait3A_160 = tpu.memref_slice %arg3[%add3A_20] : memref<16384xi32, #tpu.memory_space<hbm>> -> memref<128xi32, #tpu.memory_space<hbm>>
      tpu.wait_dma2 semaphore(%run_scoped3A_144 : memref<!tpu.dma_semaphore, #tpu.memory_space<semaphore_mem>>) src(%dma_wait3A_160 : memref<128xi32, #tpu.memory_space<hbm>>) dst(%dma_wait3A_159 : memref<128xi32, #tpu.memory_space<vmem>>)
      tpu.yield
    }) : () -> ()
    %dma_start3A_22 = arith.constant 1 : i32
    %dma_start3A_23 = arith.constant 1 : i32
    %dma_start3A_24 = arith.constant 1 : i32
    %dma_start3A_25 = arith.constant 0 : i32
    %dma_start3A_26 = arith.constant 0 : i32
    %dma_start3A_27 = tpu.memref_slice %arg6[%dma_start3A_23, %dma_start3A_25, %dma_start3A_26] : memref<2x128x256xf32, #tpu.memory_space<vmem>> -> memref<1x128x256xf32, #tpu.memory_space<vmem>>
    %dma_start3A_28 = tpu.memref_squeeze %dma_start3A_27 : memref<1x128x256xf32, #tpu.memory_space<vmem>> -> memref<128x256xf32, #tpu.memory_space<vmem>>
    %dma_start3A_29 = arith.constant 0 : i32
    %dma_start3A_30 = tpu.memref_slice %arg5[%dma_start3A_22, %dma_start3A_29] : memref<2x128xi32, #tpu.memory_space<vmem>> -> memref<1x128xi32, #tpu.memory_space<vmem>>
    %dma_start3A_31 = tpu.memref_squeeze %dma_start3A_30 : memref<1x128xi32, #tpu.memory_space<vmem>> -> memref<128xi32, #tpu.memory_space<vmem>>
    %dma_start3A_32 = arith.constant 0 : i32
    %dma_start3A_33 = arith.constant 0 : i32
    %dma_start3A_34 = tpu.memref_slice %arg2[%dma_start3A_32, %dma_start3A_33] : memref<8192x256xf32, #tpu.memory_space<hbm>> -> memref<8192x256xf32, #tpu.memory_space<hbm>>
    %dma_start3A_35 = tpu.memref_slice %arg7[%dma_start3A_24] : memref<2x!tpu.dma_semaphore, #tpu.memory_space<semaphore_mem>> -> memref<1x!tpu.dma_semaphore, #tpu.memory_space<semaphore_mem>>
    %dma_start3A_36 = tpu.memref_squeeze %dma_start3A_35 : memref<1x!tpu.dma_semaphore, #tpu.memory_space<semaphore_mem>> -> memref<!tpu.dma_semaphore, #tpu.memory_space<semaphore_mem>>
    tpu.enqueue_indirect_dma source(%dma_start3A_34 : memref<8192x256xf32, #tpu.memory_space<hbm>>) target(%dma_start3A_28 : memref<128x256xf32, #tpu.memory_space<vmem>>) offsets(%dma_start3A_31 : memref<128xi32, #tpu.memory_space<vmem>>) semaphore(%dma_start3A_36 : memref<!tpu.dma_semaphore, #tpu.memory_space<semaphore_mem>>)
    %dma_wait3A = arith.constant 0 : i32
    %dma_wait3A_37 = arith.constant 0 : i32
    %dma_wait3A_38 = arith.constant 0 : i32
    %dma_wait3A_39 = arith.constant 0 : i32
    %dma_wait3A_40 = arith.constant 0 : i32
    %dma_wait3A_41 = tpu.memref_slice %arg6[%dma_wait3A_37, %dma_wait3A_39, %dma_wait3A_40] : memref<2x128x256xf32, #tpu.memory_space<vmem>> -> memref<1x128x256xf32, #tpu.memory_space<vmem>>
    %dma_wait3A_42 = tpu.memref_squeeze %dma_wait3A_41 : memref<1x128x256xf32, #tpu.memory_space<vmem>> -> memref<128x256xf32, #tpu.memory_space<vmem>>
    %dma_wait3A_43 = arith.constant 0 : i32
    %dma_wait3A_44 = tpu.memref_slice %arg5[%dma_wait3A, %dma_wait3A_43] : memref<2x128xi32, #tpu.memory_space<vmem>> -> memref<1x128xi32, #tpu.memory_space<vmem>>
    %dma_wait3A_45 = tpu.memref_squeeze %dma_wait3A_44 : memref<1x128xi32, #tpu.memory_space<vmem>> -> memref<128xi32, #tpu.memory_space<vmem>>
    %dma_wait3A_46 = arith.constant 0 : i32
    %dma_wait3A_47 = arith.constant 0 : i32
    %dma_wait3A_48 = tpu.memref_slice %arg2[%dma_wait3A_46, %dma_wait3A_47] : memref<8192x256xf32, #tpu.memory_space<hbm>> -> memref<8192x256xf32, #tpu.memory_space<hbm>>
    %dma_wait3A_49 = tpu.memref_slice %arg7[%dma_wait3A_38] : memref<2x!tpu.dma_semaphore, #tpu.memory_space<semaphore_mem>> -> memref<1x!tpu.dma_semaphore, #tpu.memory_space<semaphore_mem>>
    %dma_wait3A_50 = tpu.memref_squeeze %dma_wait3A_49 : memref<1x!tpu.dma_semaphore, #tpu.memory_space<semaphore_mem>> -> memref<!tpu.dma_semaphore, #tpu.memory_space<semaphore_mem>>
    tpu.wait_indirect_dma semaphore(%dma_wait3A_50 : memref<!tpu.dma_semaphore, #tpu.memory_space<semaphore_mem>>) src(%dma_wait3A_48 : memref<8192x256xf32, #tpu.memory_space<hbm>>) dst(%dma_wait3A_42 : memref<128x256xf32, #tpu.memory_space<vmem>>)
    %add3A_51 = arith.constant 0 : i32
    %add3A_52 = arith.addi %mul3A_2, %add3A_51 : i32
    %run_scoped3A_53 = arith.constant 0 : i32
    "tpu.region"() ({
      %run_scoped3A_144 = tpu.sem_alloc : memref<!tpu.dma_semaphore, #tpu.memory_space<semaphore_mem>>
      %dma_start3A_145 = arith.constant 0 : i32
      %dma_start3A_146 = arith.constant 0 : i32
      %dma_start3A_147 = tpu.memref_slice %arg6[%run_scoped3A_53, %dma_start3A_145, %dma_start3A_146] : memref<2x128x256xf32, #tpu.memory_space<vmem>> -> memref<1x128x256xf32, #tpu.memory_space<vmem>>
      %dma_start3A_148 = tpu.memref_squeeze %dma_start3A_147 : memref<1x128x256xf32, #tpu.memory_space<vmem>> -> memref<128x256xf32, #tpu.memory_space<vmem>>
      %dma_start3A_149 = arith.constant 0 : i32
      %dma_start3A_150 = tpu.memref_slice %arg4[%add3A_52, %dma_start3A_149] : memref<16384x256xf32, #tpu.memory_space<hbm>> -> memref<128x256xf32, #tpu.memory_space<hbm>>
      %dma_start3A_151 = arith.constant 0 : i32
      %dma_start3A_152 = tpu.memref_slice %arg4[%add3A_52, %dma_start3A_151] : memref<16384x256xf32, #tpu.memory_space<hbm>> -> memref<128x256xf32, #tpu.memory_space<hbm>>
      %dma_start3A_153 = arith.constant 0 : i32
      %dma_start3A_154 = arith.constant 0 : i32
      %dma_start3A_155 = tpu.memref_slice %arg6[%run_scoped3A_53, %dma_start3A_153, %dma_start3A_154] : memref<2x128x256xf32, #tpu.memory_space<vmem>> -> memref<1x128x256xf32, #tpu.memory_space<vmem>>
      %dma_start3A_156 = tpu.memref_squeeze %dma_start3A_155 : memref<1x128x256xf32, #tpu.memory_space<vmem>> -> memref<128x256xf32, #tpu.memory_space<vmem>>
      tpu.enqueue_dma source(%dma_start3A_156 : memref<128x256xf32, #tpu.memory_space<vmem>>) target(%dma_start3A_152 : memref<128x256xf32, #tpu.memory_space<hbm>>) target_semaphore(%run_scoped3A_144 : memref<!tpu.dma_semaphore, #tpu.memory_space<semaphore_mem>>)
      %dma_wait3A_157 = arith.constant 0 : i32
      %dma_wait3A_158 = arith.constant 0 : i32
      %dma_wait3A_159 = tpu.memref_slice %arg6[%run_scoped3A_53, %dma_wait3A_157, %dma_wait3A_158] : memref<2x128x256xf32, #tpu.memory_space<vmem>> -> memref<1x128x256xf32, #tpu.memory_space<vmem>>
      %dma_wait3A_160 = tpu.memref_squeeze %dma_wait3A_159 : memref<1x128x256xf32, #tpu.memory_space<vmem>> -> memref<128x256xf32, #tpu.memory_space<vmem>>
      %dma_wait3A_161 = arith.constant 0 : i32
      %dma_wait3A_162 = tpu.memref_slice %arg4[%add3A_52, %dma_wait3A_161] : memref<16384x256xf32, #tpu.memory_space<hbm>> -> memref<128x256xf32, #tpu.memory_space<hbm>>
      %dma_wait3A_163 = arith.constant 0 : i32
      %dma_wait3A_164 = tpu.memref_slice %arg4[%add3A_52, %dma_wait3A_163] : memref<16384x256xf32, #tpu.memory_space<hbm>> -> memref<128x256xf32, #tpu.memory_space<hbm>>
      %dma_wait3A_165 = arith.constant 0 : i32
      %dma_wait3A_166 = arith.constant 0 : i32
      %dma_wait3A_167 = tpu.memref_slice %arg6[%run_scoped3A_53, %dma_wait3A_165, %dma_wait3A_166] : memref<2x128x256xf32, #tpu.memory_space<vmem>> -> memref<1x128x256xf32, #tpu.memory_space<vmem>>
      %dma_wait3A_168 = tpu.memref_squeeze %dma_wait3A_167 : memref<1x128x256xf32, #tpu.memory_space<vmem>> -> memref<128x256xf32, #tpu.memory_space<vmem>>
      tpu.wait_dma2 semaphore(%run_scoped3A_144 : memref<!tpu.dma_semaphore, #tpu.memory_space<semaphore_mem>>) src(%dma_wait3A_168 : memref<128x256xf32, #tpu.memory_space<vmem>>) dst(%dma_wait3A_164 : memref<128x256xf32, #tpu.memory_space<hbm>>)
      tpu.yield
    }) : () -> ()
    %add3A_54 = arith.constant 256 : i32
    %add3A_55 = arith.addi %mul3A_2, %add3A_54 : i32
    %run_scoped3A_56 = arith.constant 0 : i32
    "tpu.region"() ({
      %run_scoped3A_144 = tpu.sem_alloc : memref<!tpu.dma_semaphore, #tpu.memory_space<semaphore_mem>>
      %dma_start3A_145 = arith.constant 0 : i32
      %dma_start3A_146 = tpu.memref_slice %arg5[%run_scoped3A_56, %dma_start3A_145] : memref<2x128xi32, #tpu.memory_space<vmem>> -> memref<1x128xi32, #tpu.memory_space<vmem>>
      %dma_start3A_147 = tpu.memref_squeeze %dma_start3A_146 : memref<1x128xi32, #tpu.memory_space<vmem>> -> memref<128xi32, #tpu.memory_space<vmem>>
      %dma_start3A_148 = tpu.memref_slice %arg3[%add3A_55] : memref<16384xi32, #tpu.memory_space<hbm>> -> memref<128xi32, #tpu.memory_space<hbm>>
      %dma_start3A_149 = arith.constant 0 : i32
      %dma_start3A_150 = tpu.memref_slice %arg5[%run_scoped3A_56, %dma_start3A_149] : memref<2x128xi32, #tpu.memory_space<vmem>> -> memref<1x128xi32, #tpu.memory_space<vmem>>
      %dma_start3A_151 = tpu.memref_squeeze %dma_start3A_150 : memref<1x128xi32, #tpu.memory_space<vmem>> -> memref<128xi32, #tpu.memory_space<vmem>>
      %dma_start3A_152 = tpu.memref_slice %arg3[%add3A_55] : memref<16384xi32, #tpu.memory_space<hbm>> -> memref<128xi32, #tpu.memory_space<hbm>>
      tpu.enqueue_dma source(%dma_start3A_152 : memref<128xi32, #tpu.memory_space<hbm>>) target(%dma_start3A_151 : memref<128xi32, #tpu.memory_space<vmem>>) target_semaphore(%run_scoped3A_144 : memref<!tpu.dma_semaphore, #tpu.memory_space<semaphore_mem>>)
      %dma_wait3A_153 = arith.constant 0 : i32
      %dma_wait3A_154 = tpu.memref_slice %arg5[%run_scoped3A_56, %dma_wait3A_153] : memref<2x128xi32, #tpu.memory_space<vmem>> -> memref<1x128xi32, #tpu.memory_space<vmem>>
      %dma_wait3A_155 = tpu.memref_squeeze %dma_wait3A_154 : memref<1x128xi32, #tpu.memory_space<vmem>> -> memref<128xi32, #tpu.memory_space<vmem>>
      %dma_wait3A_156 = tpu.memref_slice %arg3[%add3A_55] : memref<16384xi32, #tpu.memory_space<hbm>> -> memref<128xi32, #tpu.memory_space<hbm>>
      %dma_wait3A_157 = arith.constant 0 : i32
      %dma_wait3A_158 = tpu.memref_slice %arg5[%run_scoped3A_56, %dma_wait3A_157] : memref<2x128xi32, #tpu.memory_space<vmem>> -> memref<1x128xi32, #tpu.memory_space<vmem>>
      %dma_wait3A_159 = tpu.memref_squeeze %dma_wait3A_158 : memref<1x128xi32, #tpu.memory_space<vmem>> -> memref<128xi32, #tpu.memory_space<vmem>>
      %dma_wait3A_160 = tpu.memref_slice %arg3[%add3A_55] : memref<16384xi32, #tpu.memory_space<hbm>> -> memref<128xi32, #tpu.memory_space<hbm>>
      tpu.wait_dma2 semaphore(%run_scoped3A_144 : memref<!tpu.dma_semaphore, #tpu.memory_space<semaphore_mem>>) src(%dma_wait3A_160 : memref<128xi32, #tpu.memory_space<hbm>>) dst(%dma_wait3A_159 : memref<128xi32, #tpu.memory_space<vmem>>)
      tpu.yield
    }) : () -> ()
    %dma_start3A_57 = arith.constant 0 : i32
    %dma_start3A_58 = arith.constant 0 : i32
    %dma_start3A_59 = arith.constant 0 : i32
    %dma_start3A_60 = arith.constant 0 : i32
    %dma_start3A_61 = arith.constant 0 : i32
    %dma_start3A_62 = tpu.memref_slice %arg6[%dma_start3A_58, %dma_start3A_60, %dma_start3A_61] : memref<2x128x256xf32, #tpu.memory_space<vmem>> -> memref<1x128x256xf32, #tpu.memory_space<vmem>>
    %dma_start3A_63 = tpu.memref_squeeze %dma_start3A_62 : memref<1x128x256xf32, #tpu.memory_space<vmem>> -> memref<128x256xf32, #tpu.memory_space<vmem>>
    %dma_start3A_64 = arith.constant 0 : i32
    %dma_start3A_65 = tpu.memref_slice %arg5[%dma_start3A_57, %dma_start3A_64] : memref<2x128xi32, #tpu.memory_space<vmem>> -> memref<1x128xi32, #tpu.memory_space<vmem>>
    %dma_start3A_66 = tpu.memref_squeeze %dma_start3A_65 : memref<1x128xi32, #tpu.memory_space<vmem>> -> memref<128xi32, #tpu.memory_space<vmem>>
    %dma_start3A_67 = arith.constant 0 : i32
    %dma_start3A_68 = arith.constant 0 : i32
    %dma_start3A_69 = tpu.memref_slice %arg2[%dma_start3A_67, %dma_start3A_68] : memref<8192x256xf32, #tpu.memory_space<hbm>> -> memref<8192x256xf32, #tpu.memory_space<hbm>>
    %dma_start3A_70 = tpu.memref_slice %arg7[%dma_start3A_59] : memref<2x!tpu.dma_semaphore, #tpu.memory_space<semaphore_mem>> -> memref<1x!tpu.dma_semaphore, #tpu.memory_space<semaphore_mem>>
    %dma_start3A_71 = tpu.memref_squeeze %dma_start3A_70 : memref<1x!tpu.dma_semaphore, #tpu.memory_space<semaphore_mem>> -> memref<!tpu.dma_semaphore, #tpu.memory_space<semaphore_mem>>
    tpu.enqueue_indirect_dma source(%dma_start3A_69 : memref<8192x256xf32, #tpu.memory_space<hbm>>) target(%dma_start3A_63 : memref<128x256xf32, #tpu.memory_space<vmem>>) offsets(%dma_start3A_66 : memref<128xi32, #tpu.memory_space<vmem>>) semaphore(%dma_start3A_71 : memref<!tpu.dma_semaphore, #tpu.memory_space<semaphore_mem>>)
    %dma_wait3A_72 = arith.constant 1 : i32
    %dma_wait3A_73 = arith.constant 1 : i32
    %dma_wait3A_74 = arith.constant 1 : i32
    %dma_wait3A_75 = arith.constant 0 : i32
    %dma_wait3A_76 = arith.constant 0 : i32
    %dma_wait3A_77 = tpu.memref_slice %arg6[%dma_wait3A_73, %dma_wait3A_75, %dma_wait3A_76] : memref<2x128x256xf32, #tpu.memory_space<vmem>> -> memref<1x128x256xf32, #tpu.memory_space<vmem>>
    %dma_wait3A_78 = tpu.memref_squeeze %dma_wait3A_77 : memref<1x128x256xf32, #tpu.memory_space<vmem>> -> memref<128x256xf32, #tpu.memory_space<vmem>>
    %dma_wait3A_79 = arith.constant 0 : i32
    %dma_wait3A_80 = tpu.memref_slice %arg5[%dma_wait3A_72, %dma_wait3A_79] : memref<2x128xi32, #tpu.memory_space<vmem>> -> memref<1x128xi32, #tpu.memory_space<vmem>>
    %dma_wait3A_81 = tpu.memref_squeeze %dma_wait3A_80 : memref<1x128xi32, #tpu.memory_space<vmem>> -> memref<128xi32, #tpu.memory_space<vmem>>
    %dma_wait3A_82 = arith.constant 0 : i32
    %dma_wait3A_83 = arith.constant 0 : i32
    %dma_wait3A_84 = tpu.memref_slice %arg2[%dma_wait3A_82, %dma_wait3A_83] : memref<8192x256xf32, #tpu.memory_space<hbm>> -> memref<8192x256xf32, #tpu.memory_space<hbm>>
    %dma_wait3A_85 = tpu.memref_slice %arg7[%dma_wait3A_74] : memref<2x!tpu.dma_semaphore, #tpu.memory_space<semaphore_mem>> -> memref<1x!tpu.dma_semaphore, #tpu.memory_space<semaphore_mem>>
    %dma_wait3A_86 = tpu.memref_squeeze %dma_wait3A_85 : memref<1x!tpu.dma_semaphore, #tpu.memory_space<semaphore_mem>> -> memref<!tpu.dma_semaphore, #tpu.memory_space<semaphore_mem>>
    tpu.wait_indirect_dma semaphore(%dma_wait3A_86 : memref<!tpu.dma_semaphore, #tpu.memory_space<semaphore_mem>>) src(%dma_wait3A_84 : memref<8192x256xf32, #tpu.memory_space<hbm>>) dst(%dma_wait3A_78 : memref<128x256xf32, #tpu.memory_space<vmem>>)
    %add3A_87 = arith.constant 128 : i32
    %add3A_88 = arith.addi %mul3A_2, %add3A_87 : i32
    %run_scoped3A_89 = arith.constant 1 : i32
    "tpu.region"() ({
      %run_scoped3A_144 = tpu.sem_alloc : memref<!tpu.dma_semaphore, #tpu.memory_space<semaphore_mem>>
      %dma_start3A_145 = arith.constant 0 : i32
      %dma_start3A_146 = arith.constant 0 : i32
      %dma_start3A_147 = tpu.memref_slice %arg6[%run_scoped3A_89, %dma_start3A_145, %dma_start3A_146] : memref<2x128x256xf32, #tpu.memory_space<vmem>> -> memref<1x128x256xf32, #tpu.memory_space<vmem>>
      %dma_start3A_148 = tpu.memref_squeeze %dma_start3A_147 : memref<1x128x256xf32, #tpu.memory_space<vmem>> -> memref<128x256xf32, #tpu.memory_space<vmem>>
      %dma_start3A_149 = arith.constant 0 : i32
      %dma_start3A_150 = tpu.memref_slice %arg4[%add3A_88, %dma_start3A_149] : memref<16384x256xf32, #tpu.memory_space<hbm>> -> memref<128x256xf32, #tpu.memory_space<hbm>>
      %dma_start3A_151 = arith.constant 0 : i32
      %dma_start3A_152 = tpu.memref_slice %arg4[%add3A_88, %dma_start3A_151] : memref<16384x256xf32, #tpu.memory_space<hbm>> -> memref<128x256xf32, #tpu.memory_space<hbm>>
      %dma_start3A_153 = arith.constant 0 : i32
      %dma_start3A_154 = arith.constant 0 : i32
      %dma_start3A_155 = tpu.memref_slice %arg6[%run_scoped3A_89, %dma_start3A_153, %dma_start3A_154] : memref<2x128x256xf32, #tpu.memory_space<vmem>> -> memref<1x128x256xf32, #tpu.memory_space<vmem>>
      %dma_start3A_156 = tpu.memref_squeeze %dma_start3A_155 : memref<1x128x256xf32, #tpu.memory_space<vmem>> -> memref<128x256xf32, #tpu.memory_space<vmem>>
      tpu.enqueue_dma source(%dma_start3A_156 : memref<128x256xf32, #tpu.memory_space<vmem>>) target(%dma_start3A_152 : memref<128x256xf32, #tpu.memory_space<hbm>>) target_semaphore(%run_scoped3A_144 : memref<!tpu.dma_semaphore, #tpu.memory_space<semaphore_mem>>)
      %dma_wait3A_157 = arith.constant 0 : i32
      %dma_wait3A_158 = arith.constant 0 : i32
      %dma_wait3A_159 = tpu.memref_slice %arg6[%run_scoped3A_89, %dma_wait3A_157, %dma_wait3A_158] : memref<2x128x256xf32, #tpu.memory_space<vmem>> -> memref<1x128x256xf32, #tpu.memory_space<vmem>>
      %dma_wait3A_160 = tpu.memref_squeeze %dma_wait3A_159 : memref<1x128x256xf32, #tpu.memory_space<vmem>> -> memref<128x256xf32, #tpu.memory_space<vmem>>
      %dma_wait3A_161 = arith.constant 0 : i32
      %dma_wait3A_162 = tpu.memref_slice %arg4[%add3A_88, %dma_wait3A_161] : memref<16384x256xf32, #tpu.memory_space<hbm>> -> memref<128x256xf32, #tpu.memory_space<hbm>>
      %dma_wait3A_163 = arith.constant 0 : i32
      %dma_wait3A_164 = tpu.memref_slice %arg4[%add3A_88, %dma_wait3A_163] : memref<16384x256xf32, #tpu.memory_space<hbm>> -> memref<128x256xf32, #tpu.memory_space<hbm>>
      %dma_wait3A_165 = arith.constant 0 : i32
      %dma_wait3A_166 = arith.constant 0 : i32
      %dma_wait3A_167 = tpu.memref_slice %arg6[%run_scoped3A_89, %dma_wait3A_165, %dma_wait3A_166] : memref<2x128x256xf32, #tpu.memory_space<vmem>> -> memref<1x128x256xf32, #tpu.memory_space<vmem>>
      %dma_wait3A_168 = tpu.memref_squeeze %dma_wait3A_167 : memref<1x128x256xf32, #tpu.memory_space<vmem>> -> memref<128x256xf32, #tpu.memory_space<vmem>>
      tpu.wait_dma2 semaphore(%run_scoped3A_144 : memref<!tpu.dma_semaphore, #tpu.memory_space<semaphore_mem>>) src(%dma_wait3A_168 : memref<128x256xf32, #tpu.memory_space<vmem>>) dst(%dma_wait3A_164 : memref<128x256xf32, #tpu.memory_space<hbm>>)
      tpu.yield
    }) : () -> ()
    %add3A_90 = arith.constant 384 : i32
    %add3A_91 = arith.addi %mul3A_2, %add3A_90 : i32
    %run_scoped3A_92 = arith.constant 1 : i32
    "tpu.region"() ({
      %run_scoped3A_144 = tpu.sem_alloc : memref<!tpu.dma_semaphore, #tpu.memory_space<semaphore_mem>>
      %dma_start3A_145 = arith.constant 0 : i32
      %dma_start3A_146 = tpu.memref_slice %arg5[%run_scoped3A_92, %dma_start3A_145] : memref<2x128xi32, #tpu.memory_space<vmem>> -> memref<1x128xi32, #tpu.memory_space<vmem>>
      %dma_start3A_147 = tpu.memref_squeeze %dma_start3A_146 : memref<1x128xi32, #tpu.memory_space<vmem>> -> memref<128xi32, #tpu.memory_space<vmem>>
      %dma_start3A_148 = tpu.memref_slice %arg3[%add3A_91] : memref<16384xi32, #tpu.memory_space<hbm>> -> memref<128xi32, #tpu.memory_space<hbm>>
      %dma_start3A_149 = arith.constant 0 : i32
      %dma_start3A_150 = tpu.memref_slice %arg5[%run_scoped3A_92, %dma_start3A_149] : memref<2x128xi32, #tpu.memory_space<vmem>> -> memref<1x128xi32, #tpu.memory_space<vmem>>
      %dma_start3A_151 = tpu.memref_squeeze %dma_start3A_150 : memref<1x128xi32, #tpu.memory_space<vmem>> -> memref<128xi32, #tpu.memory_space<vmem>>
      %dma_start3A_152 = tpu.memref_slice %arg3[%add3A_91] : memref<16384xi32, #tpu.memory_space<hbm>> -> memref<128xi32, #tpu.memory_space<hbm>>
      tpu.enqueue_dma source(%dma_start3A_152 : memref<128xi32, #tpu.memory_space<hbm>>) target(%dma_start3A_151 : memref<128xi32, #tpu.memory_space<vmem>>) target_semaphore(%run_scoped3A_144 : memref<!tpu.dma_semaphore, #tpu.memory_space<semaphore_mem>>)
      %dma_wait3A_153 = arith.constant 0 : i32
      %dma_wait3A_154 = tpu.memref_slice %arg5[%run_scoped3A_92, %dma_wait3A_153] : memref<2x128xi32, #tpu.memory_space<vmem>> -> memref<1x128xi32, #tpu.memory_space<vmem>>
      %dma_wait3A_155 = tpu.memref_squeeze %dma_wait3A_154 : memref<1x128xi32, #tpu.memory_space<vmem>> -> memref<128xi32, #tpu.memory_space<vmem>>
      %dma_wait3A_156 = tpu.memref_slice %arg3[%add3A_91] : memref<16384xi32, #tpu.memory_space<hbm>> -> memref<128xi32, #tpu.memory_space<hbm>>
      %dma_wait3A_157 = arith.constant 0 : i32
      %dma_wait3A_158 = tpu.memref_slice %arg5[%run_scoped3A_92, %dma_wait3A_157] : memref<2x128xi32, #tpu.memory_space<vmem>> -> memref<1x128xi32, #tpu.memory_space<vmem>>
      %dma_wait3A_159 = tpu.memref_squeeze %dma_wait3A_158 : memref<1x128xi32, #tpu.memory_space<vmem>> -> memref<128xi32, #tpu.memory_space<vmem>>
      %dma_wait3A_160 = tpu.memref_slice %arg3[%add3A_91] : memref<16384xi32, #tpu.memory_space<hbm>> -> memref<128xi32, #tpu.memory_space<hbm>>
      tpu.wait_dma2 semaphore(%run_scoped3A_144 : memref<!tpu.dma_semaphore, #tpu.memory_space<semaphore_mem>>) src(%dma_wait3A_160 : memref<128xi32, #tpu.memory_space<hbm>>) dst(%dma_wait3A_159 : memref<128xi32, #tpu.memory_space<vmem>>)
      tpu.yield
    }) : () -> ()
    %dma_start3A_93 = arith.constant 1 : i32
    %dma_start3A_94 = arith.constant 1 : i32
    %dma_start3A_95 = arith.constant 1 : i32
    %dma_start3A_96 = arith.constant 0 : i32
    %dma_start3A_97 = arith.constant 0 : i32
    %dma_start3A_98 = tpu.memref_slice %arg6[%dma_start3A_94, %dma_start3A_96, %dma_start3A_97] : memref<2x128x256xf32, #tpu.memory_space<vmem>> -> memref<1x128x256xf32, #tpu.memory_space<vmem>>
    %dma_start3A_99 = tpu.memref_squeeze %dma_start3A_98 : memref<1x128x256xf32, #tpu.memory_space<vmem>> -> memref<128x256xf32, #tpu.memory_space<vmem>>
    %dma_start3A_100 = arith.constant 0 : i32
    %dma_start3A_101 = tpu.memref_slice %arg5[%dma_start3A_93, %dma_start3A_100] : memref<2x128xi32, #tpu.memory_space<vmem>> -> memref<1x128xi32, #tpu.memory_space<vmem>>
    %dma_start3A_102 = tpu.memref_squeeze %dma_start3A_101 : memref<1x128xi32, #tpu.memory_space<vmem>> -> memref<128xi32, #tpu.memory_space<vmem>>
    %dma_start3A_103 = arith.constant 0 : i32
    %dma_start3A_104 = arith.constant 0 : i32
    %dma_start3A_105 = tpu.memref_slice %arg2[%dma_start3A_103, %dma_start3A_104] : memref<8192x256xf32, #tpu.memory_space<hbm>> -> memref<8192x256xf32, #tpu.memory_space<hbm>>
    %dma_start3A_106 = tpu.memref_slice %arg7[%dma_start3A_95] : memref<2x!tpu.dma_semaphore, #tpu.memory_space<semaphore_mem>> -> memref<1x!tpu.dma_semaphore, #tpu.memory_space<semaphore_mem>>
    %dma_start3A_107 = tpu.memref_squeeze %dma_start3A_106 : memref<1x!tpu.dma_semaphore, #tpu.memory_space<semaphore_mem>> -> memref<!tpu.dma_semaphore, #tpu.memory_space<semaphore_mem>>
    tpu.enqueue_indirect_dma source(%dma_start3A_105 : memref<8192x256xf32, #tpu.memory_space<hbm>>) target(%dma_start3A_99 : memref<128x256xf32, #tpu.memory_space<vmem>>) offsets(%dma_start3A_102 : memref<128xi32, #tpu.memory_space<vmem>>) semaphore(%dma_start3A_107 : memref<!tpu.dma_semaphore, #tpu.memory_space<semaphore_mem>>)
    %dma_wait3A_108 = arith.constant 0 : i32
    %dma_wait3A_109 = arith.constant 0 : i32
    %dma_wait3A_110 = arith.constant 0 : i32
    %dma_wait3A_111 = arith.constant 0 : i32
    %dma_wait3A_112 = arith.constant 0 : i32
    %dma_wait3A_113 = tpu.memref_slice %arg6[%dma_wait3A_109, %dma_wait3A_111, %dma_wait3A_112] : memref<2x128x256xf32, #tpu.memory_space<vmem>> -> memref<1x128x256xf32, #tpu.memory_space<vmem>>
    %dma_wait3A_114 = tpu.memref_squeeze %dma_wait3A_113 : memref<1x128x256xf32, #tpu.memory_space<vmem>> -> memref<128x256xf32, #tpu.memory_space<vmem>>
    %dma_wait3A_115 = arith.constant 0 : i32
    %dma_wait3A_116 = tpu.memref_slice %arg5[%dma_wait3A_108, %dma_wait3A_115] : memref<2x128xi32, #tpu.memory_space<vmem>> -> memref<1x128xi32, #tpu.memory_space<vmem>>
    %dma_wait3A_117 = tpu.memref_squeeze %dma_wait3A_116 : memref<1x128xi32, #tpu.memory_space<vmem>> -> memref<128xi32, #tpu.memory_space<vmem>>
    %dma_wait3A_118 = arith.constant 0 : i32
    %dma_wait3A_119 = arith.constant 0 : i32
    %dma_wait3A_120 = tpu.memref_slice %arg2[%dma_wait3A_118, %dma_wait3A_119] : memref<8192x256xf32, #tpu.memory_space<hbm>> -> memref<8192x256xf32, #tpu.memory_space<hbm>>
    %dma_wait3A_121 = tpu.memref_slice %arg7[%dma_wait3A_110] : memref<2x!tpu.dma_semaphore, #tpu.memory_space<semaphore_mem>> -> memref<1x!tpu.dma_semaphore, #tpu.memory_space<semaphore_mem>>
    %dma_wait3A_122 = tpu.memref_squeeze %dma_wait3A_121 : memref<1x!tpu.dma_semaphore, #tpu.memory_space<semaphore_mem>> -> memref<!tpu.dma_semaphore, #tpu.memory_space<semaphore_mem>>
    tpu.wait_indirect_dma semaphore(%dma_wait3A_122 : memref<!tpu.dma_semaphore, #tpu.memory_space<semaphore_mem>>) src(%dma_wait3A_120 : memref<8192x256xf32, #tpu.memory_space<hbm>>) dst(%dma_wait3A_114 : memref<128x256xf32, #tpu.memory_space<vmem>>)
    %add3A_123 = arith.constant 256 : i32
    %add3A_124 = arith.addi %mul3A_2, %add3A_123 : i32
    %run_scoped3A_125 = arith.constant 0 : i32
    "tpu.region"() ({
      %run_scoped3A_144 = tpu.sem_alloc : memref<!tpu.dma_semaphore, #tpu.memory_space<semaphore_mem>>
      %dma_start3A_145 = arith.constant 0 : i32
      %dma_start3A_146 = arith.constant 0 : i32
      %dma_start3A_147 = tpu.memref_slice %arg6[%run_scoped3A_125, %dma_start3A_145, %dma_start3A_146] : memref<2x128x256xf32, #tpu.memory_space<vmem>> -> memref<1x128x256xf32, #tpu.memory_space<vmem>>
      %dma_start3A_148 = tpu.memref_squeeze %dma_start3A_147 : memref<1x128x256xf32, #tpu.memory_space<vmem>> -> memref<128x256xf32, #tpu.memory_space<vmem>>
      %dma_start3A_149 = arith.constant 0 : i32
      %dma_start3A_150 = tpu.memref_slice %arg4[%add3A_124, %dma_start3A_149] : memref<16384x256xf32, #tpu.memory_space<hbm>> -> memref<128x256xf32, #tpu.memory_space<hbm>>
      %dma_start3A_151 = arith.constant 0 : i32
      %dma_start3A_152 = tpu.memref_slice %arg4[%add3A_124, %dma_start3A_151] : memref<16384x256xf32, #tpu.memory_space<hbm>> -> memref<128x256xf32, #tpu.memory_space<hbm>>
      %dma_start3A_153 = arith.constant 0 : i32
      %dma_start3A_154 = arith.constant 0 : i32
      %dma_start3A_155 = tpu.memref_slice %arg6[%run_scoped3A_125, %dma_start3A_153, %dma_start3A_154] : memref<2x128x256xf32, #tpu.memory_space<vmem>> -> memref<1x128x256xf32, #tpu.memory_space<vmem>>
      %dma_start3A_156 = tpu.memref_squeeze %dma_start3A_155 : memref<1x128x256xf32, #tpu.memory_space<vmem>> -> memref<128x256xf32, #tpu.memory_space<vmem>>
      tpu.enqueue_dma source(%dma_start3A_156 : memref<128x256xf32, #tpu.memory_space<vmem>>) target(%dma_start3A_152 : memref<128x256xf32, #tpu.memory_space<hbm>>) target_semaphore(%run_scoped3A_144 : memref<!tpu.dma_semaphore, #tpu.memory_space<semaphore_mem>>)
      %dma_wait3A_157 = arith.constant 0 : i32
      %dma_wait3A_158 = arith.constant 0 : i32
      %dma_wait3A_159 = tpu.memref_slice %arg6[%run_scoped3A_125, %dma_wait3A_157, %dma_wait3A_158] : memref<2x128x256xf32, #tpu.memory_space<vmem>> -> memref<1x128x256xf32, #tpu.memory_space<vmem>>
      %dma_wait3A_160 = tpu.memref_squeeze %dma_wait3A_159 : memref<1x128x256xf32, #tpu.memory_space<vmem>> -> memref<128x256xf32, #tpu.memory_space<vmem>>
      %dma_wait3A_161 = arith.constant 0 : i32
      %dma_wait3A_162 = tpu.memref_slice %arg4[%add3A_124, %dma_wait3A_161] : memref<16384x256xf32, #tpu.memory_space<hbm>> -> memref<128x256xf32, #tpu.memory_space<hbm>>
      %dma_wait3A_163 = arith.constant 0 : i32
      %dma_wait3A_164 = tpu.memref_slice %arg4[%add3A_124, %dma_wait3A_163] : memref<16384x256xf32, #tpu.memory_space<hbm>> -> memref<128x256xf32, #tpu.memory_space<hbm>>
      %dma_wait3A_165 = arith.constant 0 : i32
      %dma_wait3A_166 = arith.constant 0 : i32
      %dma_wait3A_167 = tpu.memref_slice %arg6[%run_scoped3A_125, %dma_wait3A_165, %dma_wait3A_166] : memref<2x128x256xf32, #tpu.memory_space<vmem>> -> memref<1x128x256xf32, #tpu.memory_space<vmem>>
      %dma_wait3A_168 = tpu.memref_squeeze %dma_wait3A_167 : memref<1x128x256xf32, #tpu.memory_space<vmem>> -> memref<128x256xf32, #tpu.memory_space<vmem>>
      tpu.wait_dma2 semaphore(%run_scoped3A_144 : memref<!tpu.dma_semaphore, #tpu.memory_space<semaphore_mem>>) src(%dma_wait3A_168 : memref<128x256xf32, #tpu.memory_space<vmem>>) dst(%dma_wait3A_164 : memref<128x256xf32, #tpu.memory_space<hbm>>)
      tpu.yield
    }) : () -> ()
    %dma_wait3A_126 = arith.constant 1 : i32
    %dma_wait3A_127 = arith.constant 1 : i32
    %dma_wait3A_128 = arith.constant 1 : i32
    %dma_wait3A_129 = arith.constant 0 : i32
    %dma_wait3A_130 = arith.constant 0 : i32
    %dma_wait3A_131 = tpu.memref_slice %arg6[%dma_wait3A_127, %dma_wait3A_129, %dma_wait3A_130] : memref<2x128x256xf32, #tpu.memory_space<vmem>> -> memref<1x128x256xf32, #tpu.memory_space<vmem>>
    %dma_wait3A_132 = tpu.memref_squeeze %dma_wait3A_131 : memref<1x128x256xf32, #tpu.memory_space<vmem>> -> memref<128x256xf32, #tpu.memory_space<vmem>>
    %dma_wait3A_133 = arith.constant 0 : i32
    %dma_wait3A_134 = tpu.memref_slice %arg5[%dma_wait3A_126, %dma_wait3A_133] : memref<2x128xi32, #tpu.memory_space<vmem>> -> memref<1x128xi32, #tpu.memory_space<vmem>>
    %dma_wait3A_135 = tpu.memref_squeeze %dma_wait3A_134 : memref<1x128xi32, #tpu.memory_space<vmem>> -> memref<128xi32, #tpu.memory_space<vmem>>
    %dma_wait3A_136 = arith.constant 0 : i32
    %dma_wait3A_137 = arith.constant 0 : i32
    %dma_wait3A_138 = tpu.memref_slice %arg2[%dma_wait3A_136, %dma_wait3A_137] : memref<8192x256xf32, #tpu.memory_space<hbm>> -> memref<8192x256xf32, #tpu.memory_space<hbm>>
    %dma_wait3A_139 = tpu.memref_slice %arg7[%dma_wait3A_128] : memref<2x!tpu.dma_semaphore, #tpu.memory_space<semaphore_mem>> -> memref<1x!tpu.dma_semaphore, #tpu.memory_space<semaphore_mem>>
    %dma_wait3A_140 = tpu.memref_squeeze %dma_wait3A_139 : memref<1x!tpu.dma_semaphore, #tpu.memory_space<semaphore_mem>> -> memref<!tpu.dma_semaphore, #tpu.memory_space<semaphore_mem>>
    tpu.wait_indirect_dma semaphore(%dma_wait3A_140 : memref<!tpu.dma_semaphore, #tpu.memory_space<semaphore_mem>>) src(%dma_wait3A_138 : memref<8192x256xf32, #tpu.memory_space<hbm>>) dst(%dma_wait3A_132 : memref<128x256xf32, #tpu.memory_space<vmem>>)
    %add3A_141 = arith.constant 384 : i32
    %add3A_142 = arith.addi %mul3A_2, %add3A_141 : i32
    %run_scoped3A_143 = arith.constant 1 : i32
    "tpu.region"() ({
      %run_scoped3A_144 = tpu.sem_alloc : memref<!tpu.dma_semaphore, #tpu.memory_space<semaphore_mem>>
      %dma_start3A_145 = arith.constant 0 : i32
      %dma_start3A_146 = arith.constant 0 : i32
      %dma_start3A_147 = tpu.memref_slice %arg6[%run_scoped3A_143, %dma_start3A_145, %dma_start3A_146] : memref<2x128x256xf32, #tpu.memory_space<vmem>> -> memref<1x128x256xf32, #tpu.memory_space<vmem>>
      %dma_start3A_148 = tpu.memref_squeeze %dma_start3A_147 : memref<1x128x256xf32, #tpu.memory_space<vmem>> -> memref<128x256xf32, #tpu.memory_space<vmem>>
      %dma_start3A_149 = arith.constant 0 : i32
      %dma_start3A_150 = tpu.memref_slice %arg4[%add3A_142, %dma_start3A_149] : memref<16384x256xf32, #tpu.memory_space<hbm>> -> memref<128x256xf32, #tpu.memory_space<hbm>>
      %dma_start3A_151 = arith.constant 0 : i32
      %dma_start3A_152 = tpu.memref_slice %arg4[%add3A_142, %dma_start3A_151] : memref<16384x256xf32, #tpu.memory_space<hbm>> -> memref<128x256xf32, #tpu.memory_space<hbm>>
      %dma_start3A_153 = arith.constant 0 : i32
      %dma_start3A_154 = arith.constant 0 : i32
      %dma_start3A_155 = tpu.memref_slice %arg6[%run_scoped3A_143, %dma_start3A_153, %dma_start3A_154] : memref<2x128x256xf32, #tpu.memory_space<vmem>> -> memref<1x128x256xf32, #tpu.memory_space<vmem>>
      %dma_start3A_156 = tpu.memref_squeeze %dma_start3A_155 : memref<1x128x256xf32, #tpu.memory_space<vmem>> -> memref<128x256xf32, #tpu.memory_space<vmem>>
      tpu.enqueue_dma source(%dma_start3A_156 : memref<128x256xf32, #tpu.memory_space<vmem>>) target(%dma_start3A_152 : memref<128x256xf32, #tpu.memory_space<hbm>>) target_semaphore(%run_scoped3A_144 : memref<!tpu.dma_semaphore, #tpu.memory_space<semaphore_mem>>)
      %dma_wait3A_157 = arith.constant 0 : i32
      %dma_wait3A_158 = arith.constant 0 : i32
      %dma_wait3A_159 = tpu.memref_slice %arg6[%run_scoped3A_143, %dma_wait3A_157, %dma_wait3A_158] : memref<2x128x256xf32, #tpu.memory_space<vmem>> -> memref<1x128x256xf32, #tpu.memory_space<vmem>>
      %dma_wait3A_160 = tpu.memref_squeeze %dma_wait3A_159 : memref<1x128x256xf32, #tpu.memory_space<vmem>> -> memref<128x256xf32, #tpu.memory_space<vmem>>
      %dma_wait3A_161 = arith.constant 0 : i32
      %dma_wait3A_162 = tpu.memref_slice %arg4[%add3A_142, %dma_wait3A_161] : memref<16384x256xf32, #tpu.memory_space<hbm>> -> memref<128x256xf32, #tpu.memory_space<hbm>>
      %dma_wait3A_163 = arith.constant 0 : i32
      %dma_wait3A_164 = tpu.memref_slice %arg4[%add3A_142, %dma_wait3A_163] : memref<16384x256xf32, #tpu.memory_space<hbm>> -> memref<128x256xf32, #tpu.memory_space<hbm>>
      %dma_wait3A_165 = arith.constant 0 : i32
      %dma_wait3A_166 = arith.constant 0 : i32
      %dma_wait3A_167 = tpu.memref_slice %arg6[%run_scoped3A_143, %dma_wait3A_165, %dma_wait3A_166] : memref<2x128x256xf32, #tpu.memory_space<vmem>> -> memref<1x128x256xf32, #tpu.memory_space<vmem>>
      %dma_wait3A_168 = tpu.memref_squeeze %dma_wait3A_167 : memref<1x128x256xf32, #tpu.memory_space<vmem>> -> memref<128x256xf32, #tpu.memory_space<vmem>>
      tpu.wait_dma2 semaphore(%run_scoped3A_144 : memref<!tpu.dma_semaphore, #tpu.memory_space<semaphore_mem>>) src(%dma_wait3A_168 : memref<128x256xf32, #tpu.memory_space<vmem>>) dst(%dma_wait3A_164 : memref<128x256xf32, #tpu.memory_space<hbm>>)
      tpu.yield
    }) : () -> ()
    return
  }
}

module attributes {stable_mosaic.version = 14 : i64} {
  func.func @_y2_body(%arg0: memref<256x8192xf32, #tpu.memory_space<vmem>>, %arg1: memref<1x8192xf32, #tpu.memory_space<vmem>>) attributes {dimension_semantics = [], scalar_prefetch = 0 : i64, scratch_operands = 0 : i64, tpu.core_type = #tpu.core_type<tc>} {
    %get3A = arith.constant 0 : index
    %get3A_0 = arith.constant 0 : index
    %get3A_1 = vector.load %arg0[%get3A, %get3A_0] : memref<256x8192xf32, #tpu.memory_space<vmem>>, vector<256x8192xf32>
    %mul3A = arith.mulf %get3A_1, %get3A_1 : vector<256x8192xf32>
    %reduce_sum3A = arith.constant dense<0.000000e+00> : vector<8192xf32>
    %reduce_sum3A_2 = vector.multi_reduction <add>, %mul3A, %reduce_sum3A [0] : vector<256x8192xf32> to vector<8192xf32>
    %broadcast_in_dim3A = vector.shape_cast %reduce_sum3A_2 : vector<8192xf32> to vector<1x8192xf32>
    %mul3A_3 = arith.constant 2.500000e-01 : f32
    %mul3A_4 = vector.broadcast %mul3A_3 : f32 to vector<1x8192xf32>
    %mul3A_5 = arith.mulf %mul3A_4, %broadcast_in_dim3A : vector<1x8192xf32>
    %swap3A = arith.constant 0 : index
    %swap3A_6 = arith.constant 0 : index
    %swap3A_7 = vector.load %arg1[%swap3A, %swap3A_6] : memref<1x8192xf32, #tpu.memory_space<vmem>>, vector<1x8192xf32>
    tpu.vector_store %arg1[%swap3A, %swap3A_6], %mul3A_5 {strides = array<i32>} : memref<1x8192xf32, #tpu.memory_space<vmem>>, vector<1x8192xf32>,
    return
  }
}

module attributes {stable_mosaic.version = 14 : i64} {
  func.func @_argmin_body(%arg0: i32, %arg1: memref<256x256xf32, #tpu.memory_space<vmem>>, %arg2: memref<256x8192xf32, #tpu.memory_space<vmem>>, %arg3: memref<1x8192xf32, #tpu.memory_space<vmem>>, %arg4: memref<256xi32, #tpu.memory_space<vmem>>) attributes {dimension_semantics = [#tpu.dimension_semantics<arbitrary>], iteration_bounds = array<i64: 64>, scalar_prefetch = 0 : i64, scratch_operands = 0 : i64, tpu.core_type = #tpu.core_type<tc>, window_params = [{transform_indices = @transform_0, window_bounds = array<i64: 256, 256>}, {pipeline_mode = #tpu.pipeline_mode<synchronous>, transform_indices = @transform_1, window_bounds = array<i64: 256, 8192>}, {pipeline_mode = #tpu.pipeline_mode<synchronous>, transform_indices = @transform_2, window_bounds = array<i64: 1, 8192>}, {transform_indices = @transform_3, window_bounds = array<i64: 256>}]} {
    %get3A = arith.constant 0 : index
    %get3A_0 = arith.constant 0 : index
    %get3A_1 = vector.load %arg1[%get3A, %get3A_0] : memref<256x256xf32, #tpu.memory_space<vmem>>, vector<256x256xf32>
    %get3A_2 = arith.constant 0 : index
    %get3A_3 = arith.constant 0 : index
    %get3A_4 = vector.load %arg2[%get3A_2, %get3A_3] : memref<256x8192xf32, #tpu.memory_space<vmem>>, vector<256x8192xf32>
    %dot_general3A = arith.constant dense<0.000000e+00> : vector<256x8192xf32>
    %dot_general3A_5 = tpu.matmul %get3A_1, %get3A_4, %dot_general3A {dimension_numbers = #tpu.dot_dimension_numbers<[1], [0], [0], [1], [0, 0, 1, 1], [], []>, transpose_lhs_hint = false} : vector<256x256xf32>, vector<256x8192xf32>, vector<256x8192xf32> -> vector<256x8192xf32>
    %mul3A = arith.mulf %get3A_1, %get3A_1 : vector<256x256xf32>
    %reduce_sum3A = arith.constant dense<0.000000e+00> : vector<256xf32>
    %reduce_sum3A_6 = vector.multi_reduction <add>, %mul3A, %reduce_sum3A [1] : vector<256x256xf32> to vector<256xf32>
    %broadcast_in_dim3A = vector.shape_cast %reduce_sum3A_6 : vector<256xf32> to vector<256x1xf32>
    %get3A_7 = arith.constant 0 : index
    %get3A_8 = arith.constant 0 : index
    %get3A_9 = vector.load %arg3[%get3A_7, %get3A_8] : memref<1x8192xf32, #tpu.memory_space<vmem>>, vector<1x8192xf32>
    %add3A = vector.broadcast %broadcast_in_dim3A : vector<256x1xf32> to vector<256x8192xf32>
    %add3A_10 = vector.broadcast %get3A_9 : vector<1x8192xf32> to vector<256x8192xf32>
    %add3A_11 = arith.addf %add3A, %add3A_10 : vector<256x8192xf32>
    %add3A_12 = arith.addf %add3A_11, %dot_general3A_5 : vector<256x8192xf32>
    %reduce_min3A = arith.constant dense<0x7F800000> : vector<256xf32>
    %reduce_min3A_13 = vector.multi_reduction <minimumf>, %add3A_12, %reduce_min3A [1] : vector<256x8192xf32> to vector<256xf32>
    %max3A = arith.constant 0.000000e+00 : f32
    %max3A_14 = vector.broadcast %max3A : f32 to vector<256xf32>
    %max3A_15 = arith.maximumf %reduce_min3A_13, %max3A_14 : vector<256xf32>
    %sqrt3A = math.sqrt %max3A_15 : vector<256xf32>
    %bitcast_convert_type3A = tpu.bitcast %max3A_15 : vector<256xf32> -> vector<256xi32>
    %add3A_16 = arith.constant 1 : i32
    %add3A_17 = vector.broadcast %add3A_16 : i32 to vector<256xi32>
    %add3A_18 = arith.addi %bitcast_convert_type3A, %add3A_17 : vector<256xi32>
    %bitcast_convert_type3A_19 = tpu.bitcast %add3A_18 : vector<256xi32> -> vector<256xf32>
    %sqrt3A_20 = math.sqrt %bitcast_convert_type3A_19 : vector<256xf32>
    %eq3A = arith.cmpf oeq, %sqrt3A_20, %sqrt3A : vector<256xf32>
    %select_n3A = arith.select %eq3A, %bitcast_convert_type3A_19, %max3A_15 : vector<256xi1>, vector<256xf32>
    %bitcast_convert_type3A_21 = tpu.bitcast %select_n3A : vector<256xf32> -> vector<256xi32>
    %add3A_22 = arith.constant 1 : i32
    %add3A_23 = vector.broadcast %add3A_22 : i32 to vector<256xi32>
    %add3A_24 = arith.addi %bitcast_convert_type3A_21, %add3A_23 : vector<256xi32>
    %bitcast_convert_type3A_25 = tpu.bitcast %add3A_24 : vector<256xi32> -> vector<256xf32>
    %sqrt3A_26 = math.sqrt %bitcast_convert_type3A_25 : vector<256xf32>
    %eq3A_27 = arith.cmpf oeq, %sqrt3A_26, %sqrt3A : vector<256xf32>
    %select_n3A_28 = arith.select %eq3A_27, %bitcast_convert_type3A_25, %select_n3A : vector<256xi1>, vector<256xf32>
    %bitcast_convert_type3A_29 = tpu.bitcast %select_n3A_28 : vector<256xf32> -> vector<256xi32>
    %add3A_30 = arith.constant 1 : i32
    %add3A_31 = vector.broadcast %add3A_30 : i32 to vector<256xi32>
    %add3A_32 = arith.addi %bitcast_convert_type3A_29, %add3A_31 : vector<256xi32>
    %bitcast_convert_type3A_33 = tpu.bitcast %add3A_32 : vector<256xi32> -> vector<256xf32>
    %sqrt3A_34 = math.sqrt %bitcast_convert_type3A_33 : vector<256xf32>
    %eq3A_35 = arith.cmpf oeq, %sqrt3A_34, %sqrt3A : vector<256xf32>
    %select_n3A_36 = arith.select %eq3A_35, %bitcast_convert_type3A_33, %select_n3A_28 : vector<256xi1>, vector<256xf32>
    %bitcast_convert_type3A_37 = tpu.bitcast %select_n3A_36 : vector<256xf32> -> vector<256xi32>
    %add3A_38 = arith.constant 1 : i32
    %add3A_39 = vector.broadcast %add3A_38 : i32 to vector<256xi32>
    %add3A_40 = arith.addi %bitcast_convert_type3A_37, %add3A_39 : vector<256xi32>
    %bitcast_convert_type3A_41 = tpu.bitcast %add3A_40 : vector<256xi32> -> vector<256xf32>
    %sqrt3A_42 = math.sqrt %bitcast_convert_type3A_41 : vector<256xf32>
    %eq3A_43 = arith.cmpf oeq, %sqrt3A_42, %sqrt3A : vector<256xf32>
    %select_n3A_44 = arith.select %eq3A_43, %bitcast_convert_type3A_41, %select_n3A_36 : vector<256xi1>, vector<256xf32>
    %bitcast_convert_type3A_45 = tpu.bitcast %select_n3A_44 : vector<256xf32> -> vector<256xi32>
    %add3A_46 = arith.constant 1 : i32
    %add3A_47 = vector.broadcast %add3A_46 : i32 to vector<256xi32>
    %add3A_48 = arith.addi %bitcast_convert_type3A_45, %add3A_47 : vector<256xi32>
    %bitcast_convert_type3A_49 = tpu.bitcast %add3A_48 : vector<256xi32> -> vector<256xf32>
    %sqrt3A_50 = math.sqrt %bitcast_convert_type3A_49 : vector<256xf32>
    %eq3A_51 = arith.cmpf oeq, %sqrt3A_50, %sqrt3A : vector<256xf32>
    %select_n3A_52 = arith.select %eq3A_51, %bitcast_convert_type3A_49, %select_n3A_44 : vector<256xi1>, vector<256xf32>
    %iota3A = tpu.iota {dimensions = array<i32: 1>} : vector<1x8192xi32>
    %convert_element_type3A = arith.sitofp %iota3A : vector<1x8192xi32> to vector<1x8192xf32>
    %add3A_53 = vector.broadcast %get3A_9 : vector<1x8192xf32> to vector<256x8192xf32>
    %add3A_54 = vector.broadcast %broadcast_in_dim3A : vector<256x1xf32> to vector<256x8192xf32>
    %add3A_55 = arith.addf %add3A_53, %add3A_54 : vector<256x8192xf32>
    %add3A_56 = arith.addf %dot_general3A_5, %add3A_55 : vector<256x8192xf32>
    %broadcast_in_dim3A_57 = vector.shape_cast %select_n3A_52 : vector<256xf32> to vector<256x1xf32>
    %le3A = vector.broadcast %broadcast_in_dim3A_57 : vector<256x1xf32> to vector<256x8192xf32>
    %le3A_58 = arith.cmpf ole, %add3A_56, %le3A : vector<256x8192xf32>
    %jit3A = arith.constant 8.192000e+03 : f32
    %broadcast_in_dim3A_59 = vector.shape_cast %convert_element_type3A : vector<1x8192xf32> to vector<1x8192xf32>
    %broadcast_in_dim3A_60 = vector.broadcast %broadcast_in_dim3A_59 : vector<1x8192xf32> to vector<256x8192xf32>
    %broadcast_in_dim3A_61 = vector.broadcast %jit3A : f32 to vector<256x8192xf32>
    %select_n3A_62 = arith.select %le3A_58, %broadcast_in_dim3A_60, %broadcast_in_dim3A_61 : vector<256x8192xi1>, vector<256x8192xf32>
    %reduce_min3A_63 = arith.constant dense<0x7F800000> : vector<256xf32>
    %reduce_min3A_64 = vector.multi_reduction <minimumf>, %select_n3A_62, %reduce_min3A_63 [1] : vector<256x8192xf32> to vector<256xf32>
    %convert_element_type3A_65 = arith.fptosi %reduce_min3A_64 : vector<256xf32> to vector<256xi32>
    %swap3A = arith.constant 0 : index
    %swap3A_66 = vector.load %arg4[%swap3A] : memref<256xi32, #tpu.memory_space<vmem>>, vector<256xi32>
    tpu.vector_store %arg4[%swap3A], %convert_element_type3A_65 {strides = array<i32>} : memref<256xi32, #tpu.memory_space<vmem>>, vector<256xi32>,
    return
  }
  func.func @transform_0(%arg0: i32) -> (i32, i32) {
    %c0_i32 = arith.constant 0 : i32
    %c0_i32_0 = arith.constant 0 : i32
    return %arg0, %c0_i32 : i32, i32
  }
  func.func @transform_1(%arg0: i32) -> (i32, i32) {
    %c0_i32 = arith.constant 0 : i32
    %c0_i32_0 = arith.constant 0 : i32
    %c0_i32_1 = arith.constant 0 : i32
    return %c0_i32, %c0_i32_0 : i32, i32
  }
  func.func @transform_2(%arg0: i32) -> (i32, i32) {
    %c0_i32 = arith.constant 0 : i32
    %c0_i32_0 = arith.constant 0 : i32
    %c0_i32_1 = arith.constant 0 : i32
    return %c0_i32, %c0_i32_0 : i32, i32
  }
  func.func @transform_3(%arg0: i32) -> i32 {
    %c0_i32 = arith.constant 0 : i32
    return %arg0 : i32
  }
}

</mosaic_0001>

<sc_bundles>
// kernel: kernel.5.cloned.1.call-start
scs
__scs_entry_jumppad:
0x0: {  	(pc) =	sbr.rel $0x88, $3  }
0x1: {  	(tag) =	ssettag $0x0;
	lr =	simm.s32 $0x1  }
0x2: {  	[smem:$0x3F9F] =	sst lr;
	_ =	strace $0xD0000000  }
0x3: {  	_ = 	snop  }
0x4: {  	_ = 	snop  }
0x5: {  	_ = 	snop  }
0x6: {  	_ = 	snop  }
0x7: {  	_ = 	snop  }
__scs_overlays_trampoline_lowered:
0x8: {  	[smem:$0x3FAE] =	sst s0  }
0x9: {  	[smem:$0x3FAF] =	sst s1  }
0xa: {  	[smem:$0x3FB0] =	sst s2  }
0xb: {  	[smem:$0x3FB1] =	sst s3  }
0xc: {  	[smem:$0x3FB2] =	sst s4  }
0xd: {  	[smem:$0x3FB3] =	sst s5  }
0xe: {  	[smem:$0x3FB4] =	sst s6  }
0xf: {  	[smem:$0x3FB5] =	sst s7  }
0x10: {  	[smem:$0x3FB6] =	sst s8  }
0x11: {  	[smem:$0x3FB7] =	sst s9;
	s0 =	simm.s32 @!p0 $0x0  }
0x12: {  	s1 =	sld [smem:$0x3F9D];
	s0 =	simm.s32 @p0 $0x1  }
0x13: {  	[smem:$0x3FB8] =	sst s0;
	s0 =	simm.s32 @!p1 $0x0  }
0x14: {  	s2 =	sld [smem:$0x3F9C];
	s0 =	simm.s32 @p1 $0x1  }
0x15: {  	[smem:$0x3FB9] =	sst s0;
	s0 =	simm.s32 @!p2 $0x0  }
0x16: {  	s3 =	sld [smem:$0x3FDB];
	s0 =	simm.s32 @p2 $0x1  }
0x17: {  	s4 =	simm.s32 $0x1BF5;
	[smem:$0x3FBB] =	sst s0  }
0x18: {  	s0 =	sld [smem:$0x3F9E];
	_ =	swait.ge [sflag:s4], $0x0  }
0x19: {  	s7 =	sld [smem:$0x3F9F]  }
0x1a: {  	s8 =	sadd.s32 $0xFFFFE003, lr  }
0x1b: {  	s9 =	sadd.s32 $0xFFFFFEF7, lr;
	s5 =	simm.s32 $0xFFFFFFFF;
	p2 =	slt.u32 s8, $0xFFFFF086  }
0x1c: {  	p1 =	slt.u32 s9, $0xF7A;
	s5 =	simm.s32 @!p2 $0x0  }
0x1d: {  	s5 =	simm.s32 @p1 $0x1;
	p0 =	seq.s32 s7, s2  }
0x1e: {  	s7 =	smul.u32 @!p0 $0xF7A, s2;
	p2 =	seq.s32 @!p0 s5, $0x0  }
0x1f: {  	s9 =	smul.u32 $0xF7A, s1;
	s8 =	simm.s32 @!p0 $0x1BF5;
	p2 =	por !p2, p0  }
0x20: {  	[sflag:s8] =	ssyncset.s32 @!p0 $0xFFFFF086;
	s6 =	sadd.s32 @!p0 s3, s7;
	s7 =	simm.s32 @!p0 $0x108  }
0x21: {  	s3 =	sadd.s32 s3, s9;
	s6 =	sadd.s32 @!p0 $0x88, s6;
	s7 =	simm.s32 @p2 $0x1082  }
0x22: {  	[simem:s7], [sflag:s8] =	dma.local @!p0 [hbm:s6], $0xF7A  }
0x23: {  	s9 =	sor.u32 $0xD0000000, s2;
	s6 =	simm.s32 $0x108;
	_ =	swait.ge @!p0 [sflag:s8], $0x0  }
0x24: {  	s3 =	sadd.s32 $0x88, s3;
	s6 =	simm.s32 @!p1 $0x1082;
	[sflag:s4] =	ssyncset.s32 $0xFFFFF086  }
0x25: {  	[simem:s6], [sflag:s4] =	dma.local [hbm:s3], $0xF7A  }
0x26: {  	[smem:$0x3F9F] =	sst s1;
	(tag) =	ssettag s2;
	_ =	strace s9  }
0x27: {  	s1 =	sld [smem:$0x3FAF]  }
0x28: {  	s2 =	sld [smem:$0x3FB0]  }
0x29: {  	s4 =	sld [smem:$0x3FB2]  }
0x2a: {  	p0 =	seq.s32 s5, $0x0;
	s5 =	sld [smem:$0x3FB3]  }
0x2b: {  	s6 =	sld [smem:$0x3FB4]  }
0x2c: {  	s7 =	sld [smem:$0x3FB5]  }
0x2d: {  	s3 =	simm.s32 $0x108;
	s8 =	sld [smem:$0x3FB6]  }
0x2e: {  	s3 =	simm.s32 @!p0 $0x1082;
	s9 =	sld [smem:$0x3FB7]  }
0x2f: {  	lr =	sadd.s32 s0, s3;
	s0 =	sld [smem:$0x3FAE]  }
0x30: {  	s3 =	sld [smem:$0x3FB1]  }
0x31: {  	[smem:$0x3FBA] =	sst s10  }
0x32: {  	s10 =	sld [smem:$0x3FB8];
	_ =	sdelay $0x3  }
0x33: {  	p0 =	seq.s32 s10, $0x1;
	s10 =	sld [smem:$0x3FBA];
	_ =	sdelay $0x3  }
0x34: {  	[smem:$0x3FBA] =	sst s10  }
0x35: {  	s10 =	sld [smem:$0x3FB9];
	_ =	sdelay $0x3  }
0x36: {  	p1 =	seq.s32 s10, $0x1;
	s10 =	sld [smem:$0x3FBA];
	_ =	sdelay $0x3  }
0x37: {  	[smem:$0x3FBA] =	sst s10  }
0x38: {  	s10 =	sld [smem:$0x3FBB]  }
0x39: {  	_ = 	snop;
	(pc) =	sbr.ind lr, $3  }
0x3a: {  	_ = 	snop  }
0x3b: {  	_ = 	snop  }
0x3c: {  	p2 =	seq.s32 s10, $0x1;
	s10 =	sld [smem:$0x3FBA]  }
0x3d: {  	_ =	shalt  }
0x3e: {  	_ =	shalt  }
0x3f: {  	_ =	shalt  }
0x40: {  	_ =	shalt  }
0x41: {  	_ =	shalt  }
0x42: {  	_ =	shalt  }
0x43: {  	_ =	shalt  }
0x44: {  	_ =	shalt  }
0x45: {  	_ =	shalt  }
0x46: {  	_ =	shalt  }
0x47: {  	_ =	shalt  }
0x48: {  	_ =	shalt  }
0x49: {  	_ =	shalt  }
0x4a: {  	_ =	shalt  }
0x4b: {  	_ =	shalt  }
0x4c: {  	_ =	shalt  }
0x4d: {  	_ =	shalt  }
0x4e: {  	_ =	shalt  }
0x4f: {  	_ =	shalt  }
0x50: {  	_ =	shalt  }
0x51: {  	_ =	shalt  }
0x52: {  	_ =	shalt  }
0x53: {  	_ =	shalt  }
0x54: {  	_ =	shalt  }
0x55: {  	_ =	shalt  }
0x56: {  	_ =	shalt  }
0x57: {  	_ =	shalt  }
0x58: {  	_ =	shalt  }
0x59: {  	_ =	shalt  }
0x5a: {  	_ =	shalt  }
0x5b: {  	_ =	shalt  }
0x5c: {  	_ =	shalt  }
0x5d: {  	_ =	shalt  }
0x5e: {  	_ =	shalt  }
0x5f: {  	_ =	shalt  }
0x60: {  	_ =	shalt  }
0x61: {  	_ =	shalt  }
0x62: {  	_ =	shalt  }
0x63: {  	_ =	shalt  }
0x64: {  	_ =	shalt  }
0x65: {  	_ =	shalt  }
0x66: {  	_ =	shalt  }
0x67: {  	_ =	shalt  }
0x68: {  	_ =	shalt  }
0x69: {  	_ =	shalt  }
0x6a: {  	_ =	shalt  }
0x6b: {  	_ =	shalt  }
0x6c: {  	_ =	shalt  }
0x6d: {  	_ =	shalt  }
0x6e: {  	_ =	shalt  }
0x6f: {  	_ =	shalt  }
0x70: {  	_ =	shalt  }
0x71: {  	_ =	shalt  }
0x72: {  	_ =	shalt  }
0x73: {  	_ =	shalt  }
0x74: {  	_ =	shalt  }
0x75: {  	_ =	shalt  }
0x76: {  	_ =	shalt  }
0x77: {  	_ =	shalt  }
0x78: {  	_ =	shalt  }
0x79: {  	_ =	shalt  }
0x7a: {  	_ =	shalt  }
0x7b: {  	_ =	shalt  }
0x7c: {  	_ =	shalt  }
0x7d: {  	_ =	shalt  }
0x7e: {  	_ =	shalt  }
0x7f: {  	_ =	shalt  }
0x80: {  	_ =	shalt  }
0x81: {  	_ =	shalt  }
0x82: {  	_ =	shalt  }
0x83: {  	_ =	shalt  }
0x84: {  	_ =	shalt  }
0x85: {  	_ =	shalt  }
0x86: {  	_ =	shalt  }
0x87: {  	_ =	shalt  }
.Lfunc_end0:
.L_simem_size_0:
called_computation_lowered:
.L_overlay_start_0:
0x88: {  	s2 =	sld [smem:$0x3FD9]  }
0x89: {  	s3 =	sld [smem:$0x3FFE];
	_ =	sdelay $0x1  }
0x8a: {  	s1 =	srdreg.scid  }
0x8b: {  	s0 =	sand.u32 $0x1, s1  }
0x8c: {  	s15 =	sshll.u32 s0, $0xA;
	s2 =	sadd.s32 s3, s2  }
0x8d: {  	s2 =	sadd.s32 s2, s15  }
0x8e: {  	[smem:$0x3FC6] =	sst s2  }
0x8f: {  	_ = 	snop  }
0x90: {  	s2 =	sld [smem:$0x3FD0];
	_ =	sdelay $0x2  }
0x91: {  	s4 =	simm.s32 $0xA;
	s5 =	simm.s32 $0x10;
	s16 =	sld [smem:$0x3FC8]  }
0x92: {  	[smem:s5], [sflag:s4] =	dma.local [hbm:s2], $0x1  }
0x93: {  	_ =	swait.eq [sflag:s4], $0x1  }
0x94: {  	[sflag:s4] =	ssyncset.done $0x0  }
0x95: {  	s17 =	sld [smem:$0x10];
	[sflag:s4] =	ssyncadd.s32 $0xFFFFFFFF  }
0x96: {  	s18 =	sld [smem:$0x11];
	(tm) =	ssettm $0x1  }
0x97: {  	s19 =	sld [smem:$0x3FFB];
	_ =	sdelay $0x3  }
0x98: {  	_ =	strace s19  }
0x99: {  	s5 =	sld [smem:$0x3FFC];
	_ =	sdelay $0x3  }
0x9a: {  	_ =	strace s5  }
0x9b: {  	s5 =	sld [smem:$0x3FFD];
	_ =	sdelay $0x3  }
0x9c: {  	_ =	strace s5  }
0x9d: {  	_ =	strace $0x8FFFFFFF  }
0x9e: {  	s20 =	sld [smem:$0x3FDB];
	_ =	sdelay $0x1  }
0x9f: {  	s6 =	simm.s32 $_scs_section_size  }
0xa0: {  	s7 =	simm.s32 $_size__tile_overlayer_lowered;
	s8 =	simm.s32 $_tile_overlayer_lowered  }
0xa1: {  	s23 =	simm.s32 $0x1BFF;
	s22 =	sshll.u32 s8, $0x1;
	s5 =	sadd.s32 s6, s20  }
0xa2: {  	s9 =	simm.s32 $0x0;
	s21 =	sshll.u32 s7, $0x1;
	s7 =	sadd.s32 s22, s5  }
0xa3: {  	[timem:s9], [sflag:s23] =	dma.local [hbm:s7], s21  }
0xa4: {  	_ =	swait.ge [sflag:s23], s21  }
0xa5: {  	s6 =	ssub.s32 $0x0, s21;
	[sflag:s23] =	ssyncset.done $0x0  }
0xa6: {  	[sflag:s23] =	ssyncadd.s32 s6;
	_ =	sdelay $0x1  }
0xa7: {  	s24 =	simm.s32 $0x1B8B  }
0xa8: {  	_ =	swait.ge [sflag:s24], $0x1  }
0xa9: {  	[sflag:s24] =	ssyncset.done $0x0  }
0xaa: {  	s25 =	simm.s32 $0x1B8E;
	[sflag:s24] =	ssyncadd.s32 $0xFFFFFFFF  }
0xab: {  	s26 =	simm.s32 $execute0_lowered;
	[smem:$0x3FD2] =	sst s25  }
0xac: {  	s6 =	sshll.u32 s26, $0x1;
	_ =	strace $0x80000046;
	[dreg:$0x1] =	wrdreg $0xFFFFFFFF  }
0xad: {  	s28 =	simm.s32 $_size_execute0_lowered;
	s5 =	sadd.s32 s5, s6;
	[dreg:$0x0] =	wrdreg $0x0  }
0xae: {  	s6 =	sshll.u32 s28, $0x1;
	[dreg:$0x2] =	wrdreg s5  }
0xaf: {  	[dreg:$0x3] =	wrdreg s6  }
0xb0: {  	[dreg:$0x4] =	wrdreg $0xC0  }
0xb1: {  	_ =	task [dreg:s9], $0x5FFFF  }
0xb2: {  	[dreg:$0x1] =	wrdreg $0xFFFFFFFF  }
0xb3: {  	[dreg:$0x0] =	wrdreg $0x60  }
0xb4: {  	[dreg:$0x2] =	wrdreg s16  }
0xb5: {  	[dreg:$0x3] =	wrdreg s17  }
0xb6: {  	[dreg:$0x4] =	wrdreg s18  }
0xb7: {  	[dreg:$0x5] =	wrdreg $0x9  }
0xb8: {  	_ =	task.clear_ibuf [dreg:s9], $0x6FFFF;
	_ =	strace $0x90000046  }
0xb9: {  	s29 =	simm.s32 $0x9;
	_ =	strace $0x80000048  }
0xba: {  	_ =	swait.ge [sflag:s29], $0x1  }
0xbb: {  	[sflag:s29] =	ssyncadd.s32 $0xFFFFFFFF  }
0xbc: {  	_ =	strace $0x90000048  }
0xbd: {  	_ =	sfence  }
0xbe: {  	s30 =	sld [smem:$0x0];
	_ =	sdelay $0x2  }
0xbf: {  	s31 =	sshll.u32 s1, $0xD;
	s1 =	sshrl.u32 s1, $0x2  }
0xc0: {  	s3 =	sand.u32 $0x4000, s31;
	s1 =	sadd.s32 s1, s30  }
0xc1: {  	s0 =	sor.u32 s3, s0;
	s1 =	sshll.u32 s1, $0x11  }
0xc2: {  	s0 =	sor.u32 s1, s0  }
0xc3: {  	s0 =	sadd.s32 $0x8F2B, s0  }
0xc4: {  	[sflag:s0] =	ssyncadd.remote.s32 $0x1  }
0xc5: {  	_ =	sfence.sel $0xFFFF  }
0xc6: {  	[dreg:$0x0] =	wrdreg $0xFFFFFFFF;
	(pc) =	sbr.abs _section_cstart, $3  }
0xc7: {  	[dreg:$0x1] =	wrdreg $0xFFFFFFFF  }
0xc8: {  	_ =	task.clear_ibuf [dreg:s9], $0x2FFFF;
	_ =	strace $0x9FFFFFFF  }
0xc9: {  	(tm) =	ssettm $0x7FFFFFFF  }
tec
execute0_lowered:
.L_overlay_start_1:
0x0: {  	(tag) =	ssettag $0x1  }
0x1: {  	s1 =	rddreg [dreg:$0x0]  }
0x2: {  	s0 =	rddreg [dreg:$0x1]  }
0x3: {  	s2 =	rddreg [dreg:$0x2];
	s3 =	srdreg.scid  }
0x4: {  	s5 =	stileid.u32;
	s14 =	simm.s32 $0x2;
	s16 =	simm.s32 $0x900  }
0x5: {  	s28 =	simm.s32 $0x5900;
	s29 =	simm.s32 $0x6100;
	s30 =	simm.s32 $0x6900  }
0x6: {  	s31 =	simm.s32 $0x7100;
	s10 =	simm.s32 $0xA100;
	s11 =	simm.s32 $0xA900  }
0x7: {  	s12 =	simm.s32 $0xB100;
	s4 =	sand.u32 $0x1, s3;
	s3 =	simm.s32 $0x0  }
0x8: {  	s5 =	sshll.u32 s5, $0xA;
	s6 =	sshll.u32 s4, $0x9;
	[smem:$0x7FF] =	sst s3  }
0x9: {  	s4 =	ssub.s32 $0x2, s4;
	s5 =	sor.u32 s6, s5;
	_ =	strace $0x80000047  }
0xa: {  	s9 =	sshrl.u32 s4, $0x1;
	s6 =	sshrl.u32 s5, $0x3;
	s7 =	sor.u32 $0x80, s5  }
0xb: {  	s18 =	sshll.u32 s5, $0x5;
	s20 =	sor.u32 $0x100, s5;
	s5 =	sor.u32 $0x180, s5  }
0xc: {  	s4 =	ssub.s32 s4, s9;
	s9 =	simm.s32 $0x9900;
	s6 =	sadd.s32 s0, s6  }
0xd: {  	s8 =	sshrl.u32 s7, $0x3;
	s19 =	sadd.s32 s2, s18;
	s21 =	sshrl.u32 s20, $0x3  }
0xe: {  	s7 =	sshll.u32 s7, $0x5;
	s23 =	sshrl.u32 s5, $0x3;
	s24 =	sshll.u32 s20, $0x5  }
0xf: {  	s5 =	sshll.u32 s5, $0x5;
	s4 =	smax.u32 s4, $0x1;
	s18 =	simm.s32 $0x1900  }
0x10: {  	s20 =	simm.s32 $0x2900;
	[dreg:$0x4] =	wrdreg s6;
	s17 =	sadd.s32 s0, s8  }
0x11: {  	[dreg:$0x6] =	wrdreg s19;
	s6 =	sadd.s32 s0, s21;
	s22 =	sadd.s32 s2, s7  }
0x12: {  	s0 =	sadd.s32 s0, s23;
	s25 =	sadd.s32 s2, s24;
	[dreg:$0x5] =	wrdreg s17  }
0x13: {  	s26 =	sadd.s32 s2, s5;
	s5 =	simm.s32 $0x3;
	[dreg:$0x7] =	wrdreg s6  }
0x14: {  	s19 =	simm.s32 $0x2100;
	s21 =	simm.s32 $0x3100;
	[dreg:$0x8] =	wrdreg s22  }
0x15: {  	s24 =	simm.s32 $0x4100;
	s23 =	simm.s32 $0x80;
	[dreg:$0x9] =	wrdreg s0  }
0x16: {  	v2 =	vlaneseq.u32;
	s7 =	simm.s32 $0x8900;
	s8 =	simm.s32 $0x9100;
	[dreg:$0xa] =	wrdreg s25  }
0x17: {  	vm0 =	vmmov $0xffff;
	v1 =	vshrl.u32 v2, $0x3;
	[dreg:$0xb] =	wrdreg s26;
	s6 =	simm.s32 $0x1;
	s17 =	simm.s32 $0x1100  }
0x18: {  	v0 =	vand.u32 $0x7, v2;
	v2 =	vor.u32 $0x8, v2;
	v1 =	vmul.u32 $0x8, v1;
	s22 =	simm.s32 $0x3900;
	s25 =	simm.s32 $0x4900;
	s26 =	simm.s32 $0x5100  }
.LBB2_1:
0x19: {  	s15 =	rddreg [dreg:$0x4]  }
0x1a: {  	[tilespmem:s3], [sflag:$0x3] =	stream.linear.gather [hbm4b:s15+s3], $0x80, $0x38;
	[tilespmem:$0x10100] =	vst v63  }
0x1b: {  	_ =	swait.ge [sflag:s5], $0x80  }
0x1c: {  	[sflag:s5] =	ssyncset.done $0x0  }
0x1d: {  	[sflag:s5] =	ssyncadd.s32 $0xFFFFFF80  }
0x1e: {  	v3 =	vld [tilespmem:$0x0];
	_ =	sdelay $0x4  }
0x1f: {  	v4 =	vshll.u32 v3, $0x1  }
0x20: {  	v3 =	vand.u32 $0x7, v3;
	v4 =	vand.u32 $0xFFFFFFF0, v4  }
0x21: {  	v3 =	vor.u32 v3, v4  }
0x22: {  	v4 =	vperm.xlane v3, v0;
	_ =	sdelay $0x1  }
0x23: {  	v3 =	vperm.xlane v3, v2;
	v4 =	vadd.s32 v1, v4;
	_ =	sdelay $0x1  }
0x24: {  	v3 =	vadd.s32 v1, v3;
	_ =	sdelay $0x1  }
0x25: {  	s0 =	simm.s32 $0x100  }
0x26: {  	[tilespmem:s0], [sflag:$0x1] =	stream.indirect_vreg.gather [hbm4b:s1+s3], $0x80, v4, vm0, $0xb8;
	[tilespmem:$0x10100] =	vst v63  }
0x27: {  	_ = 	snop  }
0x28: {  	[tilespmem:s16], [sflag:$0x1] =	stream.indirect_vreg.gather [hbm4b:s1+s3], $0x80, v3, vm0, $0xb8;
	[tilespmem:$0x10100] =	vst v63  }
0x29: {  	v3 =	vld [tilespmem:$0x10];
	_ =	sdelay $0x4  }
0x2a: {  	v33 =	vshll.u32 v3, $0x1  }
0x2b: {  	v3 =	vand.u32 $0x7, v3;
	v4 =	vand.u32 $0xFFFFFFF0, v33  }
0x2c: {  	v3 =	vor.u32 v3, v4  }
0x2d: {  	v4 =	vperm.xlane v3, v0;
	_ =	sdelay $0x1  }
0x2e: {  	v3 =	vperm.xlane v3, v2;
	v4 =	vadd.s32 v1, v4;
	_ =	sdelay $0x1  }
0x2f: {  	v3 =	vadd.s32 v1, v3;
	_ =	sdelay $0x2  }
0x30: {  	[tilespmem:s17], [sflag:$0x1] =	stream.indirect_vreg.gather [hbm4b:s1+s3], $0x80, v4, vm0, $0xb8;
	[tilespmem:$0x10100] =	vst v63  }
0x31: {  	_ = 	snop  }
0x32: {  	[tilespmem:s18], [sflag:$0x1] =	stream.indirect_vreg.gather [hbm4b:s1+s3], $0x80, v3, vm0, $0xb8;
	[tilespmem:$0x10100] =	vst v63  }
0x33: {  	v3 =	vld [tilespmem:$0x20];
	_ =	sdelay $0x4  }
0x34: {  	v34 =	vshll.u32 v3, $0x1  }
0x35: {  	v3 =	vand.u32 $0x7, v3;
	v4 =	vand.u32 $0xFFFFFFF0, v34  }
0x36: {  	v3 =	vor.u32 v3, v4  }
0x37: {  	v4 =	vperm.xlane v3, v0;
	_ =	sdelay $0x1  }
0x38: {  	v3 =	vperm.xlane v3, v2;
	v4 =	vadd.s32 v1, v4;
	_ =	sdelay $0x1  }
0x39: {  	v3 =	vadd.s32 v1, v3;
	_ =	sdelay $0x2  }
0x3a: {  	[tilespmem:s19], [sflag:$0x1] =	stream.indirect_vreg.gather [hbm4b:s1+s3], $0x80, v4, vm0, $0xb8;
	[tilespmem:$0x10100] =	vst v63  }
0x3b: {  	_ = 	snop  }
0x3c: {  	[tilespmem:s20], [sflag:$0x1] =	stream.indirect_vreg.gather [hbm4b:s1+s3], $0x80, v3, vm0, $0xb8;
	[tilespmem:$0x10100] =	vst v63  }
0x3d: {  	v3 =	vld [tilespmem:$0x30];
	_ =	sdelay $0x4  }
0x3e: {  	v35 =	vshll.u32 v3, $0x1  }
0x3f: {  	v3 =	vand.u32 $0x7, v3;
	v4 =	vand.u32 $0xFFFFFFF0, v35  }
0x40: {  	v3 =	vor.u32 v3, v4  }
0x41: {  	v4 =	vperm.xlane v3, v0;
	_ =	sdelay $0x1  }
0x42: {  	v3 =	vperm.xlane v3, v2;
	v4 =	vadd.s32 v1, v4;
	_ =	sdelay $0x1  }
0x43: {  	v3 =	vadd.s32 v1, v3;
	_ =	sdelay $0x2  }
0x44: {  	[tilespmem:s21], [sflag:$0x1] =	stream.indirect_vreg.gather [hbm4b:s1+s3], $0x80, v4, vm0, $0xb8;
	[tilespmem:$0x10100] =	vst v63  }
0x45: {  	_ = 	snop  }
0x46: {  	[tilespmem:s22], [sflag:$0x1] =	stream.indirect_vreg.gather [hbm4b:s1+s3], $0x80, v3, vm0, $0xb8;
	[tilespmem:$0x10100] =	vst v63  }
0x47: {  	v3 =	vld [tilespmem:$0x40];
	_ =	sdelay $0x4  }
0x48: {  	v36 =	vshll.u32 v3, $0x1  }
0x49: {  	v3 =	vand.u32 $0x7, v3;
	v4 =	vand.u32 $0xFFFFFFF0, v36  }
0x4a: {  	v3 =	vor.u32 v3, v4  }
0x4b: {  	v4 =	vperm.xlane v3, v0;
	_ =	sdelay $0x1  }
0x4c: {  	v3 =	vperm.xlane v3, v2;
	v4 =	vadd.s32 v1, v4;
	_ =	sdelay $0x1  }
0x4d: {  	v3 =	vadd.s32 v1, v3;
	_ =	sdelay $0x2  }
0x4e: {  	[tilespmem:s24], [sflag:$0x1] =	stream.indirect_vreg.gather [hbm4b:s1+s3], $0x80, v4, vm0, $0xb8;
	[tilespmem:$0x10100] =	vst v63  }
0x4f: {  	_ = 	snop  }
0x50: {  	[tilespmem:s25], [sflag:$0x1] =	stream.indirect_vreg.gather [hbm4b:s1+s3], $0x80, v3, vm0, $0xb8;
	[tilespmem:$0x10100] =	vst v63  }
0x51: {  	v3 =	vld [tilespmem:$0x50];
	_ =	sdelay $0x4  }
0x52: {  	v37 =	vshll.u32 v3, $0x1  }
0x53: {  	v3 =	vand.u32 $0x7, v3;
	v4 =	vand.u32 $0xFFFFFFF0, v37  }
0x54: {  	v3 =	vor.u32 v3, v4  }
0x55: {  	v4 =	vperm.xlane v3, v0;
	_ =	sdelay $0x1  }
0x56: {  	v3 =	vperm.xlane v3, v2;
	v4 =	vadd.s32 v1, v4;
	_ =	sdelay $0x1  }
0x57: {  	v3 =	vadd.s32 v1, v3;
	_ =	sdelay $0x2  }
0x58: {  	[tilespmem:s26], [sflag:$0x1] =	stream.indirect_vreg.gather [hbm4b:s1+s3], $0x80, v4, vm0, $0xb8;
	[tilespmem:$0x10100] =	vst v63  }
0x59: {  	_ = 	snop  }
0x5a: {  	[tilespmem:s28], [sflag:$0x1] =	stream.indirect_vreg.gather [hbm4b:s1+s3], $0x80, v3, vm0, $0xb8;
	[tilespmem:$0x10100] =	vst v63  }
0x5b: {  	v3 =	vld [tilespmem:$0x60];
	_ =	sdelay $0x4  }
0x5c: {  	v38 =	vshll.u32 v3, $0x1  }
0x5d: {  	v3 =	vand.u32 $0x7, v3;
	v4 =	vand.u32 $0xFFFFFFF0, v38  }
0x5e: {  	v3 =	vor.u32 v3, v4  }
0x5f: {  	v4 =	vperm.xlane v3, v0;
	_ =	sdelay $0x1  }
0x60: {  	v3 =	vperm.xlane v3, v2;
	v4 =	vadd.s32 v1, v4;
	_ =	sdelay $0x1  }
0x61: {  	v3 =	vadd.s32 v1, v3;
	_ =	sdelay $0x2  }
0x62: {  	[tilespmem:s29], [sflag:$0x1] =	stream.indirect_vreg.gather [hbm4b:s1+s3], $0x80, v4, vm0, $0xb8;
	[tilespmem:$0x10100] =	vst v63  }
0x63: {  	_ = 	snop  }
0x64: {  	[tilespmem:s30], [sflag:$0x1] =	stream.indirect_vreg.gather [hbm4b:s1+s3], $0x80, v3, vm0, $0xb8;
	[tilespmem:$0x10100] =	vst v63  }
0x65: {  	v3 =	vld [tilespmem:$0x70];
	_ =	sdelay $0x4  }
0x66: {  	v39 =	vshll.u32 v3, $0x1  }
0x67: {  	v3 =	vand.u32 $0x7, v3;
	v4 =	vand.u32 $0xFFFFFFF0, v39  }
0x68: {  	v3 =	vor.u32 v3, v4  }
0x69: {  	v4 =	vperm.xlane v3, v0;
	_ =	sdelay $0x1  }
0x6a: {  	v3 =	vperm.xlane v3, v2;
	v4 =	vadd.s32 v1, v4;
	_ =	sdelay $0x1  }
0x6b: {  	v3 =	vadd.s32 v1, v3;
	_ =	sdelay $0x2  }
0x6c: {  	[tilespmem:s31], [sflag:$0x1] =	stream.indirect_vreg.gather [hbm4b:s1+s3], $0x80, v4, vm0, $0xb8;
	[tilespmem:$0x10100] =	vst v63  }
0x6d: {  	s2 =	simm.s32 $0x7900  }
0x6e: {  	[tilespmem:s2], [sflag:$0x1] =	stream.indirect_vreg.gather [hbm4b:s1+s3], $0x80, v3, vm0, $0xb8;
	[tilespmem:$0x10100] =	vst v63  }
0x6f: {  	s13 =	rddreg [dreg:$0x5]  }
0x70: {  	[tilespmem:s23], [sflag:$0x3] =	stream.linear.gather [hbm4b:s13+s3], $0x80, $0x38;
	[tilespmem:$0x10100] =	vst v63  }
0x71: {  	_ =	swait.ge [sflag:s5], $0x80  }
0x72: {  	[sflag:s5] =	ssyncset.done $0x0  }
0x73: {  	[sflag:s5] =	ssyncadd.s32 $0xFFFFFF80  }
0x74: {  	v3 =	vld [tilespmem:$0x80];
	_ =	sdelay $0x4  }
0x75: {  	v40 =	vshll.u32 v3, $0x1  }
0x76: {  	v3 =	vand.u32 $0x7, v3;
	v4 =	vand.u32 $0xFFFFFFF0, v40  }
0x77: {  	v3 =	vor.u32 v3, v4  }
0x78: {  	v4 =	vperm.xlane v3, v0;
	_ =	sdelay $0x1  }
0x79: {  	v3 =	vperm.xlane v3, v2;
	v4 =	vadd.s32 v1, v4;
	_ =	sdelay $0x1  }
0x7a: {  	v3 =	vadd.s32 v1, v3;
	_ =	sdelay $0x1  }
0x7b: {  	s0 =	simm.s32 $0x8100  }
0x7c: {  	[tilespmem:s0], [sflag:$0x2] =	stream.indirect_vreg.gather [hbm4b:s1+s3], $0x80, v4, vm0, $0xb8;
	[tilespmem:$0x10100] =	vst v63  }
0x7d: {  	_ = 	snop  }
0x7e: {  	[tilespmem:s7], [sflag:$0x2] =	stream.indirect_vreg.gather [hbm4b:s1+s3], $0x80, v3, vm0, $0xb8;
	[tilespmem:$0x10100] =	vst v63  }
0x7f: {  	v3 =	vld [tilespmem:$0x90];
	_ =	sdelay $0x4  }
0x80: {  	v41 =	vshll.u32 v3, $0x1  }
0x81: {  	v3 =	vand.u32 $0x7, v3;
	v4 =	vand.u32 $0xFFFFFFF0, v41  }
0x82: {  	v3 =	vor.u32 v3, v4  }
0x83: {  	v4 =	vperm.xlane v3, v0;
	_ =	sdelay $0x1  }
0x84: {  	v3 =	vperm.xlane v3, v2;
	v4 =	vadd.s32 v1, v4;
	_ =	sdelay $0x1  }
0x85: {  	v3 =	vadd.s32 v1, v3;
	_ =	sdelay $0x2  }
0x86: {  	[tilespmem:s8], [sflag:$0x2] =	stream.indirect_vreg.gather [hbm4b:s1+s3], $0x80, v4, vm0, $0xb8;
	[tilespmem:$0x10100] =	vst v63  }
0x87: {  	_ = 	snop  }
0x88: {  	[tilespmem:s9], [sflag:$0x2] =	stream.indirect_vreg.gather [hbm4b:s1+s3], $0x80, v3, vm0, $0xb8;
	[tilespmem:$0x10100] =	vst v63  }
0x89: {  	v3 =	vld [tilespmem:$0xA0];
	_ =	sdelay $0x4  }
0x8a: {  	v42 =	vshll.u32 v3, $0x1  }
0x8b: {  	v3 =	vand.u32 $0x7, v3;
	v4 =	vand.u32 $0xFFFFFFF0, v42  }
0x8c: {  	v3 =	vor.u32 v3, v4  }
0x8d: {  	v4 =	vperm.xlane v3, v0;
	_ =	sdelay $0x1  }
0x8e: {  	v3 =	vperm.xlane v3, v2;
	v4 =	vadd.s32 v1, v4;
	_ =	sdelay $0x1  }
0x8f: {  	v3 =	vadd.s32 v1, v3;
	_ =	sdelay $0x2  }
0x90: {  	[tilespmem:s10], [sflag:$0x2] =	stream.indirect_vreg.gather [hbm4b:s1+s3], $0x80, v4, vm0, $0xb8;
	[tilespmem:$0x10100] =	vst v63  }
0x91: {  	_ = 	snop  }
0x92: {  	[tilespmem:s11], [sflag:$0x2] =	stream.indirect_vreg.gather [hbm4b:s1+s3], $0x80, v3, vm0, $0xb8;
	[tilespmem:$0x10100] =	vst v63  }
0x93: {  	v3 =	vld [tilespmem:$0xB0];
	_ =	sdelay $0x4  }
0x94: {  	v43 =	vshll.u32 v3, $0x1  }
0x95: {  	v3 =	vand.u32 $0x7, v3;
	v4 =	vand.u32 $0xFFFFFFF0, v43  }
0x96: {  	v3 =	vor.u32 v3, v4  }
0x97: {  	v4 =	vperm.xlane v3, v0;
	_ =	sdelay $0x1  }
0x98: {  	v3 =	vperm.xlane v3, v2;
	v4 =	vadd.s32 v1, v4;
	_ =	sdelay $0x1  }
0x99: {  	v3 =	vadd.s32 v1, v3;
	_ =	sdelay $0x2  }
0x9a: {  	[tilespmem:s12], [sflag:$0x2] =	stream.indirect_vreg.gather [hbm4b:s1+s3], $0x80, v4, vm0, $0xb8;
	[tilespmem:$0x10100] =	vst v63  }
0x9b: {  	s13 =	simm.s32 $0xB900  }
0x9c: {  	[tilespmem:s13], [sflag:$0x2] =	stream.indirect_vreg.gather [hbm4b:s1+s3], $0x80, v3, vm0, $0xb8;
	[tilespmem:$0x10100] =	vst v63  }
0x9d: {  	v3 =	vld [tilespmem:$0xC0];
	_ =	sdelay $0x4  }
0x9e: {  	v44 =	vshll.u32 v3, $0x1  }
0x9f: {  	v3 =	vand.u32 $0x7, v3;
	v4 =	vand.u32 $0xFFFFFFF0, v44  }
0xa0: {  	v3 =	vor.u32 v3, v4  }
0xa1: {  	v4 =	vperm.xlane v3, v0;
	_ =	sdelay $0x1  }
0xa2: {  	v3 =	vperm.xlane v3, v2;
	v4 =	vadd.s32 v1, v4;
	_ =	sdelay $0x1  }
0xa3: {  	v3 =	vadd.s32 v1, v3;
	_ =	sdelay $0x1  }
0xa4: {  	s15 =	simm.s32 $0xC100  }
0xa5: {  	[tilespmem:s15], [sflag:$0x2] =	stream.indirect_vreg.gather [hbm4b:s1+s3], $0x80, v4, vm0, $0xb8;
	[tilespmem:$0x10100] =	vst v63  }
0xa6: {  	s15 =	simm.s32 $0xC900  }
0xa7: {  	[tilespmem:s15], [sflag:$0x2] =	stream.indirect_vreg.gather [hbm4b:s1+s3], $0x80, v3, vm0, $0xb8;
	[tilespmem:$0x10100] =	vst v63  }
0xa8: {  	v3 =	vld [tilespmem:$0xD0];
	_ =	sdelay $0x4  }
0xa9: {  	v45 =	vshll.u32 v3, $0x1  }
0xaa: {  	v3 =	vand.u32 $0x7, v3;
	v4 =	vand.u32 $0xFFFFFFF0, v45  }
0xab: {  	v3 =	vor.u32 v3, v4  }
0xac: {  	v4 =	vperm.xlane v3, v0;
	_ =	sdelay $0x1  }
0xad: {  	v3 =	vperm.xlane v3, v2;
	v4 =	vadd.s32 v1, v4;
	_ =	sdelay $0x1  }
0xae: {  	v3 =	vadd.s32 v1, v3;
	_ =	sdelay $0x1  }
0xaf: {  	s15 =	simm.s32 $0xD100  }
0xb0: {  	[tilespmem:s15], [sflag:$0x2] =	stream.indirect_vreg.gather [hbm4b:s1+s3], $0x80, v4, vm0, $0xb8;
	[tilespmem:$0x10100] =	vst v63  }
0xb1: {  	s15 =	simm.s32 $0xD900  }
0xb2: {  	[tilespmem:s15], [sflag:$0x2] =	stream.indirect_vreg.gather [hbm4b:s1+s3], $0x80, v3, vm0, $0xb8;
	[tilespmem:$0x10100] =	vst v63  }
0xb3: {  	v3 =	vld [tilespmem:$0xE0];
	_ =	sdelay $0x4  }
0xb4: {  	v46 =	vshll.u32 v3, $0x1  }
0xb5: {  	v3 =	vand.u32 $0x7, v3;
	v4 =	vand.u32 $0xFFFFFFF0, v46  }
0xb6: {  	v3 =	vor.u32 v3, v4  }
0xb7: {  	v4 =	vperm.xlane v3, v0;
	_ =	sdelay $0x1  }
0xb8: {  	v3 =	vperm.xlane v3, v2;
	v4 =	vadd.s32 v1, v4;
	_ =	sdelay $0x1  }
0xb9: {  	v3 =	vadd.s32 v1, v3;
	_ =	sdelay $0x1  }
0xba: {  	s15 =	simm.s32 $0xE100  }
0xbb: {  	[tilespmem:s15], [sflag:$0x2] =	stream.indirect_vreg.gather [hbm4b:s1+s3], $0x80, v4, vm0, $0xb8;
	[tilespmem:$0x10100] =	vst v63  }
0xbc: {  	s15 =	simm.s32 $0xE900  }
0xbd: {  	[tilespmem:s15], [sflag:$0x2] =	stream.indirect_vreg.gather [hbm4b:s1+s3], $0x80, v3, vm0, $0xb8;
	[tilespmem:$0x10100] =	vst v63  }
0xbe: {  	v3 =	vld [tilespmem:$0xF0];
	_ =	sdelay $0x4  }
0xbf: {  	v47 =	vshll.u32 v3, $0x1  }
0xc0: {  	v3 =	vand.u32 $0x7, v3;
	v4 =	vand.u32 $0xFFFFFFF0, v47  }
0xc1: {  	v3 =	vor.u32 v3, v4  }
0xc2: {  	v4 =	vperm.xlane v3, v0;
	_ =	sdelay $0x1  }
0xc3: {  	v3 =	vperm.xlane v3, v2;
	v4 =	vadd.s32 v1, v4;
	_ =	sdelay $0x1  }
0xc4: {  	v3 =	vadd.s32 v1, v3;
	_ =	sdelay $0x1  }
0xc5: {  	s15 =	simm.s32 $0xF100  }
0xc6: {  	[tilespmem:s15], [sflag:$0x2] =	stream.indirect_vreg.gather [hbm4b:s1+s3], $0x80, v4, vm0, $0xb8;
	[tilespmem:$0x10100] =	vst v63  }
0xc7: {  	s15 =	simm.s32 $0xF900  }
0xc8: {  	[tilespmem:s15], [sflag:$0x2] =	stream.indirect_vreg.gather [hbm4b:s1+s3], $0x80, v3, vm0, $0xb8;
	[tilespmem:$0x10100] =	vst v63  }
0xc9: {  	_ =	swait.ge [sflag:s6], $0x8000  }
0xca: {  	[sflag:s6] =	ssyncset.done $0x0  }
0xcb: {  	s13 =	simm.s32 $0x100;
	s15 =	rddreg [dreg:$0x6];
	[sflag:s6] =	ssyncadd.s32 $0xFFFF8000  }
0xcc: {  	[hbm4b:s15+s3] =	stream.linear.scatter [tilespmem:s13], [sflag:$0x3], $0x8000, $0x38;
	[tilespmem:$0x10100] =	vst v63  }
0xcd: {  	_ =	swait.ge [sflag:s5], $0x8000  }
0xce: {  	[sflag:s5] =	ssyncset.done $0x0  }
0xcf: {  	s15 =	rddreg [dreg:$0x7];
	[sflag:s5] =	ssyncadd.s32 $0xFFFF8000  }
0xd0: {  	[tilespmem:s3], [sflag:$0x3] =	stream.linear.gather [hbm4b:s15+s3], $0x80, $0x38;
	[tilespmem:$0x10100] =	vst v63  }
0xd1: {  	_ =	swait.ge [sflag:s5], $0x80  }
0xd2: {  	[sflag:s5] =	ssyncset.done $0x0  }
0xd3: {  	[sflag:s5] =	ssyncadd.s32 $0xFFFFFF80  }
0xd4: {  	v3 =	vld [tilespmem:$0x0];
	_ =	sdelay $0x4  }
0xd5: {  	v48 =	vshll.u32 v3, $0x1  }
0xd6: {  	v3 =	vand.u32 $0x7, v3;
	v4 =	vand.u32 $0xFFFFFFF0, v48  }
0xd7: {  	v3 =	vor.u32 v3, v4  }
0xd8: {  	v4 =	vperm.xlane v3, v0;
	_ =	sdelay $0x1  }
0xd9: {  	v3 =	vperm.xlane v3, v2;
	v4 =	vadd.s32 v1, v4;
	_ =	sdelay $0x1  }
0xda: {  	v3 =	vadd.s32 v1, v3;
	_ =	sdelay $0x2  }
0xdb: {  	[tilespmem:s13], [sflag:$0x1] =	stream.indirect_vreg.gather [hbm4b:s1+s3], $0x80, v4, vm0, $0xb8;
	[tilespmem:$0x10100] =	vst v63  }
0xdc: {  	_ = 	snop  }
0xdd: {  	[tilespmem:s16], [sflag:$0x1] =	stream.indirect_vreg.gather [hbm4b:s1+s3], $0x80, v3, vm0, $0xb8;
	[tilespmem:$0x10100] =	vst v63  }
0xde: {  	v3 =	vld [tilespmem:$0x10];
	_ =	sdelay $0x4  }
0xdf: {  	v49 =	vshll.u32 v3, $0x1  }
0xe0: {  	v3 =	vand.u32 $0x7, v3;
	v4 =	vand.u32 $0xFFFFFFF0, v49  }
0xe1: {  	v3 =	vor.u32 v3, v4  }
0xe2: {  	v4 =	vperm.xlane v3, v0;
	_ =	sdelay $0x1  }
0xe3: {  	v3 =	vperm.xlane v3, v2;
	v4 =	vadd.s32 v1, v4;
	_ =	sdelay $0x1  }
0xe4: {  	v3 =	vadd.s32 v1, v3;
	_ =	sdelay $0x2  }
0xe5: {  	[tilespmem:s17], [sflag:$0x1] =	stream.indirect_vreg.gather [hbm4b:s1+s3], $0x80, v4, vm0, $0xb8;
	[tilespmem:$0x10100] =	vst v63  }
0xe6: {  	_ = 	snop  }
0xe7: {  	[tilespmem:s18], [sflag:$0x1] =	stream.indirect_vreg.gather [hbm4b:s1+s3], $0x80, v3, vm0, $0xb8;
	[tilespmem:$0x10100] =	vst v63  }
0xe8: {  	v3 =	vld [tilespmem:$0x20];
	_ =	sdelay $0x4  }
0xe9: {  	v50 =	vshll.u32 v3, $0x1  }
0xea: {  	v3 =	vand.u32 $0x7, v3;
	v4 =	vand.u32 $0xFFFFFFF0, v50  }
0xeb: {  	v3 =	vor.u32 v3, v4  }
0xec: {  	v4 =	vperm.xlane v3, v0;
	_ =	sdelay $0x1  }
0xed: {  	v3 =	vperm.xlane v3, v2;
	v4 =	vadd.s32 v1, v4;
	_ =	sdelay $0x1  }
0xee: {  	v3 =	vadd.s32 v1, v3;
	_ =	sdelay $0x2  }
0xef: {  	[tilespmem:s19], [sflag:$0x1] =	stream.indirect_vreg.gather [hbm4b:s1+s3], $0x80, v4, vm0, $0xb8;
	[tilespmem:$0x10100] =	vst v63  }
0xf0: {  	_ = 	snop  }
0xf1: {  	[tilespmem:s20], [sflag:$0x1] =	stream.indirect_vreg.gather [hbm4b:s1+s3], $0x80, v3, vm0, $0xb8;
	[tilespmem:$0x10100] =	vst v63  }
0xf2: {  	v3 =	vld [tilespmem:$0x30];
	_ =	sdelay $0x4  }
0xf3: {  	v51 =	vshll.u32 v3, $0x1  }
0xf4: {  	v3 =	vand.u32 $0x7, v3;
	v4 =	vand.u32 $0xFFFFFFF0, v51  }
0xf5: {  	v3 =	vor.u32 v3, v4  }
0xf6: {  	v4 =	vperm.xlane v3, v0;
	_ =	sdelay $0x1  }
0xf7: {  	v3 =	vperm.xlane v3, v2;
	v4 =	vadd.s32 v1, v4;
	_ =	sdelay $0x1  }
0xf8: {  	v3 =	vadd.s32 v1, v3;
	_ =	sdelay $0x2  }
0xf9: {  	[tilespmem:s21], [sflag:$0x1] =	stream.indirect_vreg.gather [hbm4b:s1+s3], $0x80, v4, vm0, $0xb8;
	[tilespmem:$0x10100] =	vst v63  }
0xfa: {  	_ = 	snop  }
0xfb: {  	[tilespmem:s22], [sflag:$0x1] =	stream.indirect_vreg.gather [hbm4b:s1+s3], $0x80, v3, vm0, $0xb8;
	[tilespmem:$0x10100] =	vst v63  }
0xfc: {  	v3 =	vld [tilespmem:$0x40];
	_ =	sdelay $0x4  }
0xfd: {  	v52 =	vshll.u32 v3, $0x1  }
0xfe: {  	v3 =	vand.u32 $0x7, v3;
	v4 =	vand.u32 $0xFFFFFFF0, v52  }
0xff: {  	v3 =	vor.u32 v3, v4  }
0x100: {  	v4 =	vperm.xlane v3, v0;
	_ =	sdelay $0x1  }
0x101: {  	v3 =	vperm.xlane v3, v2;
	v4 =	vadd.s32 v1, v4;
	_ =	sdelay $0x1  }
0x102: {  	v3 =	vadd.s32 v1, v3;
	_ =	sdelay $0x2  }
0x103: {  	[tilespmem:s24], [sflag:$0x1] =	stream.indirect_vreg.gather [hbm4b:s1+s3], $0x80, v4, vm0, $0xb8;
	[tilespmem:$0x10100] =	vst v63  }
0x104: {  	_ = 	snop  }
0x105: {  	[tilespmem:s25], [sflag:$0x1] =	stream.indirect_vreg.gather [hbm4b:s1+s3], $0x80, v3, vm0, $0xb8;
	[tilespmem:$0x10100] =	vst v63  }
0x106: {  	v3 =	vld [tilespmem:$0x50];
	_ =	sdelay $0x4  }
0x107: {  	v53 =	vshll.u32 v3, $0x1  }
0x108: {  	v3 =	vand.u32 $0x7, v3;
	v4 =	vand.u32 $0xFFFFFFF0, v53  }
0x109: {  	v3 =	vor.u32 v3, v4  }
0x10a: {  	v4 =	vperm.xlane v3, v0;
	_ =	sdelay $0x1  }
0x10b: {  	v3 =	vperm.xlane v3, v2;
	v4 =	vadd.s32 v1, v4;
	_ =	sdelay $0x1  }
0x10c: {  	v3 =	vadd.s32 v1, v3;
	_ =	sdelay $0x2  }
0x10d: {  	[tilespmem:s26], [sflag:$0x1] =	stream.indirect_vreg.gather [hbm4b:s1+s3], $0x80, v4, vm0, $0xb8;
	[tilespmem:$0x10100] =	vst v63  }
0x10e: {  	_ = 	snop  }
0x10f: {  	[tilespmem:s28], [sflag:$0x1] =	stream.indirect_vreg.gather [hbm4b:s1+s3], $0x80, v3, vm0, $0xb8;
	[tilespmem:$0x10100] =	vst v63  }
0x110: {  	v3 =	vld [tilespmem:$0x60];
	_ =	sdelay $0x4  }
0x111: {  	v54 =	vshll.u32 v3, $0x1  }
0x112: {  	v3 =	vand.u32 $0x7, v3;
	v4 =	vand.u32 $0xFFFFFFF0, v54  }
0x113: {  	v3 =	vor.u32 v3, v4  }
0x114: {  	v4 =	vperm.xlane v3, v0;
	_ =	sdelay $0x1  }
0x115: {  	v3 =	vperm.xlane v3, v2;
	v4 =	vadd.s32 v1, v4;
	_ =	sdelay $0x1  }
0x116: {  	v3 =	vadd.s32 v1, v3;
	_ =	sdelay $0x2  }
0x117: {  	[tilespmem:s29], [sflag:$0x1] =	stream.indirect_vreg.gather [hbm4b:s1+s3], $0x80, v4, vm0, $0xb8;
	[tilespmem:$0x10100] =	vst v63  }
0x118: {  	_ = 	snop  }
0x119: {  	[tilespmem:s30], [sflag:$0x1] =	stream.indirect_vreg.gather [hbm4b:s1+s3], $0x80, v3, vm0, $0xb8;
	[tilespmem:$0x10100] =	vst v63  }
0x11a: {  	v3 =	vld [tilespmem:$0x70];
	_ =	sdelay $0x4  }
0x11b: {  	v55 =	vshll.u32 v3, $0x1  }
0x11c: {  	v3 =	vand.u32 $0x7, v3;
	v4 =	vand.u32 $0xFFFFFFF0, v55  }
0x11d: {  	v3 =	vor.u32 v3, v4  }
0x11e: {  	v4 =	vperm.xlane v3, v0;
	_ =	sdelay $0x1  }
0x11f: {  	v3 =	vperm.xlane v3, v2;
	v4 =	vadd.s32 v1, v4;
	_ =	sdelay $0x1  }
0x120: {  	v3 =	vadd.s32 v1, v3;
	_ =	sdelay $0x2  }
0x121: {  	[tilespmem:s31], [sflag:$0x1] =	stream.indirect_vreg.gather [hbm4b:s1+s3], $0x80, v4, vm0, $0xb8;
	[tilespmem:$0x10100] =	vst v63  }
0x122: {  	_ = 	snop  }
0x123: {  	[tilespmem:s2], [sflag:$0x1] =	stream.indirect_vreg.gather [hbm4b:s1+s3], $0x80, v3, vm0, $0xb8;
	[tilespmem:$0x10100] =	vst v63  }
0x124: {  	_ =	swait.ge [sflag:s14], $0x8000  }
0x125: {  	[sflag:s14] =	ssyncset.done $0x0  }
0x126: {  	s2 =	rddreg [dreg:$0x8];
	[sflag:s14] =	ssyncadd.s32 $0xFFFF8000  }
0x127: {  	[hbm4b:s2+s3] =	stream.linear.scatter [tilespmem:s0], [sflag:$0x3], $0x8000, $0x38;
	[tilespmem:$0x10100] =	vst v63  }
0x128: {  	_ =	swait.ge [sflag:s5], $0x8000  }
0x129: {  	[sflag:s5] =	ssyncset.done $0x0  }
0x12a: {  	s2 =	rddreg [dreg:$0x9];
	[sflag:s5] =	ssyncadd.s32 $0xFFFF8000  }
0x12b: {  	[tilespmem:s23], [sflag:$0x3] =	stream.linear.gather [hbm4b:s2+s3], $0x80, $0x38;
	[tilespmem:$0x10100] =	vst v63  }
0x12c: {  	_ =	swait.ge [sflag:s5], $0x80  }
0x12d: {  	[sflag:s5] =	ssyncset.done $0x0  }
0x12e: {  	[sflag:s5] =	ssyncadd.s32 $0xFFFFFF80  }
0x12f: {  	v3 =	vld [tilespmem:$0x80];
	_ =	sdelay $0x4  }
0x130: {  	v56 =	vshll.u32 v3, $0x1  }
0x131: {  	v3 =	vand.u32 $0x7, v3;
	v4 =	vand.u32 $0xFFFFFFF0, v56  }
0x132: {  	v3 =	vor.u32 v3, v4  }
0x133: {  	v4 =	vperm.xlane v3, v0;
	_ =	sdelay $0x1  }
0x134: {  	v3 =	vperm.xlane v3, v2;
	v4 =	vadd.s32 v1, v4;
	_ =	sdelay $0x1  }
0x135: {  	v3 =	vadd.s32 v1, v3;
	_ =	sdelay $0x2  }
0x136: {  	[tilespmem:s0], [sflag:$0x2] =	stream.indirect_vreg.gather [hbm4b:s1+s3], $0x80, v4, vm0, $0xb8;
	[tilespmem:$0x10100] =	vst v63  }
0x137: {  	_ = 	snop  }
0x138: {  	[tilespmem:s7], [sflag:$0x2] =	stream.indirect_vreg.gather [hbm4b:s1+s3], $0x80, v3, vm0, $0xb8;
	[tilespmem:$0x10100] =	vst v63  }
0x139: {  	v3 =	vld [tilespmem:$0x90];
	_ =	sdelay $0x4  }
0x13a: {  	v57 =	vshll.u32 v3, $0x1  }
0x13b: {  	v3 =	vand.u32 $0x7, v3;
	v4 =	vand.u32 $0xFFFFFFF0, v57  }
0x13c: {  	v3 =	vor.u32 v3, v4  }
0x13d: {  	v4 =	vperm.xlane v3, v0;
	_ =	sdelay $0x1  }
0x13e: {  	v3 =	vperm.xlane v3, v2;
	v4 =	vadd.s32 v1, v4;
	_ =	sdelay $0x1  }
0x13f: {  	v3 =	vadd.s32 v1, v3;
	_ =	sdelay $0x2  }
0x140: {  	[tilespmem:s8], [sflag:$0x2] =	stream.indirect_vreg.gather [hbm4b:s1+s3], $0x80, v4, vm0, $0xb8;
	[tilespmem:$0x10100] =	vst v63  }
0x141: {  	_ = 	snop  }
0x142: {  	[tilespmem:s9], [sflag:$0x2] =	stream.indirect_vreg.gather [hbm4b:s1+s3], $0x80, v3, vm0, $0xb8;
	[tilespmem:$0x10100] =	vst v63  }
0x143: {  	v3 =	vld [tilespmem:$0xA0];
	_ =	sdelay $0x4  }
0x144: {  	v58 =	vshll.u32 v3, $0x1  }
0x145: {  	v3 =	vand.u32 $0x7, v3;
	v4 =	vand.u32 $0xFFFFFFF0, v58  }
0x146: {  	v3 =	vor.u32 v3, v4  }
0x147: {  	v4 =	vperm.xlane v3, v0;
	_ =	sdelay $0x1  }
0x148: {  	v3 =	vperm.xlane v3, v2;
	v4 =	vadd.s32 v1, v4;
	_ =	sdelay $0x1  }
0x149: {  	v3 =	vadd.s32 v1, v3;
	_ =	sdelay $0x2  }
0x14a: {  	[tilespmem:s10], [sflag:$0x2] =	stream.indirect_vreg.gather [hbm4b:s1+s3], $0x80, v4, vm0, $0xb8;
	[tilespmem:$0x10100] =	vst v63  }
0x14b: {  	_ = 	snop  }
0x14c: {  	[tilespmem:s11], [sflag:$0x2] =	stream.indirect_vreg.gather [hbm4b:s1+s3], $0x80, v3, vm0, $0xb8;
	[tilespmem:$0x10100] =	vst v63  }
0x14d: {  	v3 =	vld [tilespmem:$0xB0];
	_ =	sdelay $0x4  }
0x14e: {  	v59 =	vshll.u32 v3, $0x1  }
0x14f: {  	v3 =	vand.u32 $0x7, v3;
	v4 =	vand.u32 $0xFFFFFFF0, v59  }
0x150: {  	v3 =	vor.u32 v3, v4  }
0x151: {  	v4 =	vperm.xlane v3, v0;
	_ =	sdelay $0x1  }
0x152: {  	v3 =	vperm.xlane v3, v2;
	v4 =	vadd.s32 v1, v4;
	_ =	sdelay $0x1  }
0x153: {  	v3 =	vadd.s32 v1, v3;
	_ =	sdelay $0x2  }
0x154: {  	[tilespmem:s12], [sflag:$0x2] =	stream.indirect_vreg.gather [hbm4b:s1+s3], $0x80, v4, vm0, $0xb8;
	[tilespmem:$0x10100] =	vst v63  }
0x155: {  	s15 =	simm.s32 $0xB900  }
0x156: {  	[tilespmem:s15], [sflag:$0x2] =	stream.indirect_vreg.gather [hbm4b:s1+s3], $0x80, v3, vm0, $0xb8;
	[tilespmem:$0x10100] =	vst v63  }
0x157: {  	v3 =	vld [tilespmem:$0xC0];
	_ =	sdelay $0x4  }
0x158: {  	v60 =	vshll.u32 v3, $0x1  }
0x159: {  	v3 =	vand.u32 $0x7, v3;
	v4 =	vand.u32 $0xFFFFFFF0, v60  }
0x15a: {  	v3 =	vor.u32 v3, v4  }
0x15b: {  	v4 =	vperm.xlane v3, v0;
	_ =	sdelay $0x1  }
0x15c: {  	v3 =	vperm.xlane v3, v2;
	v4 =	vadd.s32 v1, v4;
	_ =	sdelay $0x1  }
0x15d: {  	v3 =	vadd.s32 v1, v3;
	_ =	sdelay $0x1  }
0x15e: {  	s15 =	simm.s32 $0xC100  }
0x15f: {  	[tilespmem:s15], [sflag:$0x2] =	stream.indirect_vreg.gather [hbm4b:s1+s3], $0x80, v4, vm0, $0xb8;
	[tilespmem:$0x10100] =	vst v63  }
0x160: {  	s15 =	simm.s32 $0xC900  }
0x161: {  	[tilespmem:s15], [sflag:$0x2] =	stream.indirect_vreg.gather [hbm4b:s1+s3], $0x80, v3, vm0, $0xb8;
	[tilespmem:$0x10100] =	vst v63  }
0x162: {  	v3 =	vld [tilespmem:$0xD0];
	_ =	sdelay $0x4  }
0x163: {  	v61 =	vshll.u32 v3, $0x1  }
0x164: {  	v3 =	vand.u32 $0x7, v3;
	v4 =	vand.u32 $0xFFFFFFF0, v61  }
0x165: {  	v3 =	vor.u32 v3, v4  }
0x166: {  	v4 =	vperm.xlane v3, v0;
	_ =	sdelay $0x1  }
0x167: {  	v3 =	vperm.xlane v3, v2;
	v4 =	vadd.s32 v1, v4;
	_ =	sdelay $0x1  }
0x168: {  	v3 =	vadd.s32 v1, v3;
	_ =	sdelay $0x1  }
0x169: {  	s15 =	simm.s32 $0xD100  }
0x16a: {  	[tilespmem:s15], [sflag:$0x2] =	stream.indirect_vreg.gather [hbm4b:s1+s3], $0x80, v4, vm0, $0xb8;
	[tilespmem:$0x10100] =	vst v63  }
0x16b: {  	s15 =	simm.s32 $0xD900  }
0x16c: {  	[tilespmem:s15], [sflag:$0x2] =	stream.indirect_vreg.gather [hbm4b:s1+s3], $0x80, v3, vm0, $0xb8;
	[tilespmem:$0x10100] =	vst v63  }
0x16d: {  	v3 =	vld [tilespmem:$0xE0];
	_ =	sdelay $0x4  }
0x16e: {  	v62 =	vshll.u32 v3, $0x1  }
0x16f: {  	v3 =	vand.u32 $0x7, v3;
	v4 =	vand.u32 $0xFFFFFFF0, v62  }
0x170: {  	v3 =	vor.u32 v3, v4  }
0x171: {  	v4 =	vperm.xlane v3, v0;
	_ =	sdelay $0x1  }
0x172: {  	v3 =	vperm.xlane v3, v2;
	v4 =	vadd.s32 v1, v4;
	_ =	sdelay $0x1  }
0x173: {  	v3 =	vadd.s32 v1, v3;
	_ =	sdelay $0x1  }
0x174: {  	s15 =	simm.s32 $0xE100  }
0x175: {  	[tilespmem:s15], [sflag:$0x2] =	stream.indirect_vreg.gather [hbm4b:s1+s3], $0x80, v4, vm0, $0xb8;
	[tilespmem:$0x10100] =	vst v63  }
0x176: {  	s15 =	simm.s32 $0xE900  }
0x177: {  	[tilespmem:s15], [sflag:$0x2] =	stream.indirect_vreg.gather [hbm4b:s1+s3], $0x80, v3, vm0, $0xb8;
	[tilespmem:$0x10100] =	vst v63  }
0x178: {  	v3 =	vld [tilespmem:$0xF0];
	_ =	sdelay $0x4  }
0x179: {  	v63 =	vshll.u32 v3, $0x1  }
0x17a: {  	v3 =	vand.u32 $0x7, v3;
	v4 =	vand.u32 $0xFFFFFFF0, v63  }
0x17b: {  	v3 =	vor.u32 v3, v4  }
0x17c: {  	v4 =	vperm.xlane v3, v0;
	_ =	sdelay $0x1  }
0x17d: {  	v3 =	vperm.xlane v3, v2;
	v4 =	vadd.s32 v1, v4;
	_ =	sdelay $0x1  }
0x17e: {  	v3 =	vadd.s32 v1, v3;
	_ =	sdelay $0x1  }
0x17f: {  	s15 =	simm.s32 $0xF100  }
0x180: {  	[tilespmem:s15], [sflag:$0x2] =	stream.indirect_vreg.gather [hbm4b:s1+s3], $0x80, v4, vm0, $0xb8;
	[tilespmem:$0x10100] =	vst v63  }
0x181: {  	s15 =	simm.s32 $0xF900  }
0x182: {  	[tilespmem:s15], [sflag:$0x2] =	stream.indirect_vreg.gather [hbm4b:s1+s3], $0x80, v3, vm0, $0xb8;
	[tilespmem:$0x10100] =	vst v63  }
0x183: {  	_ =	swait.ge [sflag:s6], $0x8000  }
0x184: {  	[sflag:s6] =	ssyncset.done $0x0  }
0x185: {  	s13 =	simm.s32 $0x100;
	s2 =	rddreg [dreg:$0xa];
	[sflag:s6] =	ssyncadd.s32 $0xFFFF8000  }
0x186: {  	[hbm4b:s2+s3] =	stream.linear.scatter [tilespmem:s13], [sflag:$0x3], $0x8000, $0x38;
	[tilespmem:$0x10100] =	vst v63  }
0x187: {  	_ =	swait.ge [sflag:s5], $0x8000  }
0x188: {  	[sflag:s5] =	ssyncset.done $0x0  }
0x189: {  	[sflag:s5] =	ssyncadd.s32 $0xFFFF8000  }
0x18a: {  	_ =	swait.ge [sflag:s14], $0x8000  }
0x18b: {  	p0 =	sne.s32 s4, $0x1;
	[sflag:s14] =	ssyncset.done $0x0  }
.Ltmp0:
0x18c: {  	s13 =	rddreg [dreg:$0xb];
	[sflag:s14] =	ssyncadd.s32 $0xFFFF8000;
	(pc) =	sbr.rel @p0 .LBB2_1-.Ltmp0, $4  }
0x18d: {  	[hbm4b:s13+s3] =	stream.linear.scatter [tilespmem:s0], [sflag:$0x3], $0x8000, $0x38;
	[tilespmem:$0x10100] =	vst v63  }
0x18e: {  	_ =	swait.ge [sflag:s5], $0x8000  }
0x18f: {  	[sflag:s5] =	ssyncset.done $0x0  }
0x190: {  	s4 =	sadd.s32 $0xFFFFFFFF, s4;
	[sflag:s5] =	ssyncadd.s32 $0xFFFF8000  }
0x191: {  	_ =	sfence.sel $0x180000  }
0x192: {  	[bflag:$0x0] =	sbarrier.arrive $0xFFFF  }
0x193: {  	_ =	strace $0x90000047  }
0x194: {  	s0 =	stileid.u32;
	[bflag:$0x2] =	sbarrier.arrive $0xFFFF  }
0x195: {  	p0 =	sne.s32 s0, $0x0;
	s0 =	rddreg [dreg:$0x3]  }
0x196: {  	s0 =	sadd.s32 @!p0 $0x100000, s0  }
0x197: {  	[sflag:s0] =	ssyncadd.tile.s32 @!p0 $0x1;
	_ =	shalt  }
.Lfunc_end2:
_tile_overlayer_lowered:
.L_overlay_start_2:
0x198: {  	(tag) =	ssettag $0x2  }
0x199: {  	s0 =	rddreg [dreg:$0x0];
	s2 =	stileid.u32  }
0x19a: {  	s1 =	rddreg [dreg:$0x1];
	p0 =	sne.s32 s2, $0x0  }
0x19b: {  	s3 =	rddreg [dreg:$0x2];
	[bflag:$0x3] =	sbarrier.arrive $0xFFFF;
	s2 =	simm.s32 @!p0 $0x1C03  }
0x19c: {  	[timem:s3], [sflag:s2] =	dma.local @!p0 [hbm:s0], s1  }
0x19d: {  	s0 =	simm.s32 @!p0 $0x3  }
0x19e: {  	_ =	swait.ge @!p0 [sflag:s0], s1  }
0x19f: {  	s1 =	ssub.s32 @!p0 $0x0, s1;
	[sflag:s0] =	ssyncset.done @!p0 $0x0  }
0x1a0: {  	[sflag:s0] =	ssyncadd.s32 @!p0 s1  }
0x1a1: {  	[bflag:$0x3] =	sbarrier.arrive $0xFFFF  }
0x1a2: {  	_ =	shalt  }

</sc_bundles>
